<compile_context>
chip_gen: v7x
topology: tpu7x:2x2x1
jax: 0.10.2.dev20260603
libtpu: 0.0.44.dev20260713+nightly
codegen_flags: <defaults>
</compile_context>

<pallas_src>
import functools

import jax
import jax.numpy as jnp
from jax import lax
from jax.experimental import pallas as pl
from jax.experimental.pallas import tpu as pltpu
from jax.experimental.pallas import tpu_sc as plsc

VOCAB = 1000000
EMB = 64
B = 16384
NEG = 20

NC = 2
NS = 16
NW = NC * NS
L = 16
ROWW = 128
KB = EMB // L

PT = B // NW
SB = L
NCHUNK = PT // SB
VROWS = SB * (NEG + 1)
TV = NCHUNK * VROWS
SCORES_PER_CHUNK = VROWS
TOT_SCORES = B * (NEG + 1)

CONV_BN = 16384


def _tc_conv_body(x_ref, o_ref):
    x = x_ref[...]
    r = lax.broadcasted_iota(jnp.int32, (EMB, ROWW), 0)
    c = lax.broadcasted_iota(jnp.int32, (EMB, ROWW), 1)
    eye2 = jnp.where(r == (c % EMB), 1.0, 0.0).astype(jnp.float32)
    o_ref[...] = lax.dot_general(
        x, eye2, dimension_numbers=(((0,), (0,)), ((), ())),
        preferred_element_type=jnp.float32)


def _tc_relayout(table):
    return pl.pallas_call(
        _tc_conv_body,
        grid=(pl.cdiv(VOCAB, CONV_BN),),
        in_specs=[pl.BlockSpec((EMB, CONV_BN), lambda i: (0, i))],
        out_specs=pl.BlockSpec((CONV_BN, ROWW), lambda i: (i, 0)),
        out_shape=jax.ShapeDtypeStruct((VOCAB, ROWW), jnp.float32),
    )(table.T)


def _sc_scores_kernel(pos_u_h, vall_h, uw_h, vw_h, out_h,
                      idx_u, idx_v,
                      bu0, bv0, bu1, bv1,
                      scores, sem0, sem1):
    wid = lax.axis_index("s") * NC + lax.axis_index("c")
    lanes = lax.iota(jnp.int32, L)

    pltpu.sync_copy(pos_u_h.at[pl.ds(wid * PT, PT)], idx_u)
    pltpu.sync_copy(vall_h.at[pl.ds(wid * TV, TV)], idx_v)

    def copies(c, bu, bv, sem):
        return [
            pltpu.make_async_copy(uw_h.at[idx_u.at[pl.ds(c * SB, SB)]], bu, sem),
            pltpu.make_async_copy(vw_h.at[idx_v.at[pl.ds(c * VROWS, VROWS)]],
                                  bv, sem),
        ]

    def fire(c, bu, bv, sem):
        for cp in copies(c, bu, bv, sem):
            cp.start()

    def drain(c, bu, bv, sem):
        for cp in copies(c, bu, bv, sem):
            cp.wait()

    mask0 = lanes == 0
    rot_idx = [((lanes + s) & 15)[:, None] for s in (8, 4, 2, 1)]
    gdn = lax.GatherDimensionNumbers(
        offset_dims=(), collapsed_slice_dims=(0,), start_index_map=(0,))

    def lane_sum(z):
        for ridx in rot_idx:
            z = z + lax.gather(z, ridx, gdn, slice_sizes=(1,),
                               mode=lax.GatherScatterMode.PROMISE_IN_BOUNDS)
        return z

    def compute(c, bu, bv):
        sbase = c * SCORES_PER_CHUNK

        def b_body(b, _):
            us = [bu[b, pl.ds(i * L, L)] for i in range(KB)]

            def dot_row(r):
                z = bv[r, pl.ds(0, L)] * us[0]
                for i in range(1, KB):
                    z = z + bv[r, pl.ds(i * L, L)] * us[i]
                return lane_sum(z)

            pos = dot_row(b)
            plsc.store_scatter(
                scores, [jnp.full((L,), NEG * L, jnp.int32) + (sbase + b)],
                pos, mask=mask0)

            def n_body(n, _):
                for s in range(2):
                    z = dot_row(SB + b * NEG + 2 * n + s)
                    plsc.store_scatter(
                        scores,
                        [(2 * n + s) * L + jnp.full((L,), 0, jnp.int32)
                         + (sbase + b)],
                        -z, mask=mask0)
                return 0

            lax.fori_loop(0, NEG // 2, n_body, 0)
            return 0

        lax.fori_loop(0, SB, b_body, 0)

    fire(0, bu0, bv0, sem0)

    def body(t, _):
        c0 = 2 * t
        fire(c0 + 1, bu1, bv1, sem1)
        drain(c0, bu0, bv0, sem0)
        compute(c0, bu0, bv0)

        @pl.when(t < NCHUNK // 2 - 1)
        def _():
            fire(c0 + 2, bu0, bv0, sem0)

        drain(c0 + 1, bu1, bv1, sem1)
        compute(c0 + 1, bu1, bv1)
        return 0

    lax.fori_loop(0, NCHUNK // 2, body, 0)
    pltpu.sync_copy(scores, out_h.at[pl.ds(wid * TV, TV)])


@functools.partial(
    pl.kernel,
    compiler_params=pltpu.CompilerParams(
        needs_layout_passes=False, use_tc_tiling_on_sc=True),
    out_type=jax.ShapeDtypeStruct((TOT_SCORES,), jnp.float32),
    mesh=plsc.VectorSubcoreMesh(core_axis_name="c", subcore_axis_name="s"),
    scratch_types=[
        pltpu.VMEM((PT,), jnp.int32),
        pltpu.VMEM((TV,), jnp.int32),
        pltpu.VMEM((SB, ROWW), jnp.float32),
        pltpu.VMEM((VROWS, ROWW), jnp.float32),
        pltpu.VMEM((SB, ROWW), jnp.float32),
        pltpu.VMEM((VROWS, ROWW), jnp.float32),
        pltpu.VMEM((TV,), jnp.float32),
        pltpu.SemaphoreType.DMA,
        pltpu.SemaphoreType.DMA,
    ],
)
def _sc_scores(pos_u_h, vall_h, uw_h, vw_h, out_h,
               idx_u, idx_v,
               bu0, bv0, bu1, bv1,
               scores, sem0, sem1):
    _sc_scores_kernel(pos_u_h, vall_h, uw_h, vw_h, out_h,
                      idx_u, idx_v,
                      bu0, bv0, bu1, bv1,
                      scores, sem0, sem1)


def _tc_loss_body(x_ref, o_ref):
    x = x_ref[...]
    ls = jnp.minimum(x, 0.0) - jnp.log1p(jnp.exp(-jnp.abs(x)))
    o_ref[...] = (-jnp.sum(ls)).reshape(1, 1)


def kernel(pos_u, pos_v, neg_v, u_weight, v_weight):
    pos_u = pos_u.astype(jnp.int32)
    pos_v = pos_v.astype(jnp.int32)
    neg_v = neg_v.astype(jnp.int32)
    pv = pos_v.reshape(NW, NCHUNK, L)
    ng = neg_v.reshape(NW, NCHUNK, L * NEG)
    vall = jnp.concatenate([pv, ng], axis=2).reshape(-1)
    u2 = _tc_relayout(u_weight)
    v2 = _tc_relayout(v_weight)
    scores = _sc_scores(pos_u, vall, u2, v2)
    scores2d = scores.reshape(TOT_SCORES // 128, 128)
    loss = pl.pallas_call(
        _tc_loss_body,
        out_shape=jax.ShapeDtypeStruct((1, 1), jnp.float32),
    )(scores2d)
    return loss[0, 0]

# --- scband reference (transcript-rebuilt; emitter-appended) ---
"""Pipeline reference for scband-skip-gram-model-83468394430467 (READ-ONLY COPY).

The authoritative reference and input builder live on the scoring server;
editing this copy changes nothing except your own understanding.
"""

import jax, jax.numpy as jnp
import numpy as np

VOCAB = 1000000
EMB = 64
B = 16384
NEG = 20


def setup_inputs(seed: int = 0) -> dict:
    key = jax.random.key(seed)
    k1, k2, k3, k4, k5 = jax.random.split(key, 5)
    pos_u = jax.random.randint(k1, (B,), 0, VOCAB, dtype=jnp.int64 if jax.config.jax_enable_x64 else jnp.int32)
    pos_v = jax.random.randint(k2, (B,), 0, VOCAB, dtype=jnp.int64 if jax.config.jax_enable_x64 else jnp.int32)
    neg_v = jax.random.randint(k3, (B, NEG), 0, VOCAB, dtype=jnp.int64 if jax.config.jax_enable_x64 else jnp.int32)
    init_range = 0.5 / EMB
    u_weight = jax.random.uniform(k4, (VOCAB, EMB), minval=-init_range, maxval=init_range, dtype=jnp.float32)
    # torch init sets v to zeros; use small random values so the computation is non-degenerate
    v_weight = jax.random.uniform(k5, (VOCAB, EMB), minval=-init_range, maxval=init_range, dtype=jnp.float32)
    return {"pos_u": pos_u, "pos_v": pos_v, "neg_v": neg_v, "u_weight": u_weight, "v_weight": v_weight}


def reference(pos_u, pos_v, neg_v, u_weight, v_weight):
    emb_u = jnp.take(u_weight, pos_u, axis=0)          # [B, EMB]
    emb_v = jnp.take(v_weight, pos_v, axis=0)          # [B, EMB]
    emb_neg = jnp.take(v_weight, neg_v, axis=0)        # [B, NEG, EMB]
    pos_score = jnp.sum(emb_u * emb_v, axis=1)          # [B]
    pos_score = jax.nn.log_sigmoid(pos_score)
    neg_score = jnp.einsum('bnd,bd->bn', emb_neg, emb_u)  # bmm(emb_neg, emb_u[:, :, None]).squeeze()
    neg_score = jax.nn.log_sigmoid(-neg_score)
    return -1.0 * (jnp.sum(pos_score) + jnp.sum(neg_score))

if __name__ == "__main__":
    import jax
    _d = setup_inputs()
    print(jax.jit(kernel)(*tuple(_d.values())))

</pallas_src>

<mosaic_0001>
#map = affine_map<(d0, d1) -> (0)>
#map1 = affine_map<(d0, d1) -> (0, 0)>
module attributes {stable_mosaic.version = 14 : i64} {
  func.func @_sc_scores(%arg0: i32, %arg1: i32, %arg2: memref<16384xi32, #tpu.memory_space<hbm>>, %arg3: memref<344064xi32, #tpu.memory_space<hbm>>, %arg4: memref<1000000x128xf32, #tpu.memory_space<hbm>>, %arg5: memref<1000000x128xf32, #tpu.memory_space<hbm>>, %arg6: memref<344064xf32, #tpu.memory_space<hbm>>, %arg7: memref<512xi32, #tpu.memory_space<vmem>>, %arg8: memref<10752xi32, #tpu.memory_space<vmem>>, %arg9: memref<16x128xf32, #tpu.memory_space<vmem>>, %arg10: memref<336x128xf32, #tpu.memory_space<vmem>>, %arg11: memref<16x128xf32, #tpu.memory_space<vmem>>, %arg12: memref<336x128xf32, #tpu.memory_space<vmem>>, %arg13: memref<10752xf32, #tpu.memory_space<vmem>>, %arg14: memref<!tpu.dma_semaphore, #tpu.memory_space<semaphore_mem>>, %arg15: memref<!tpu.dma_semaphore, #tpu.memory_space<semaphore_mem>>) attributes {dimension_semantics = [#tpu.dimension_semantics<core_parallel>, #tpu.dimension_semantics<subcore_parallel>], iteration_bounds = array<i64: 2, 16>, scalar_prefetch = 0 : i64, scratch_operands = 9 : i64, tpu.core_type = #tpu.core_type<sc_vector_subcore>, window_params = [{transform_indices = #map}, {transform_indices = #map}, {transform_indices = #map1}, {transform_indices = #map1}, {transform_indices = #map}]} {
    %mul3A = arith.constant 2 : i32
    %mul3A_0 = arith.muli %arg1, %mul3A : i32
    %add3A = arith.addi %mul3A_0, %arg0 : i32
    %iota3A = tpu.iota {dimensions = array<i32: 0>} : vector<16xi32>
    %mul3A_1 = arith.constant 512 : i32
    %mul3A_2 = arith.muli %add3A, %mul3A_1 : i32
    "tpu.region"() ({
      %run_scoped3A = tpu.sem_alloc : memref<!tpu.dma_semaphore, #tpu.memory_space<semaphore_mem>>
      %dma_start3A_50 = tpu.memref_slice %arg2[%mul3A_2] : memref<16384xi32, #tpu.memory_space<hbm>> -> memref<512xi32, #tpu.memory_space<hbm>>
      %dma_start3A_51 = tpu.memref_slice %arg2[%mul3A_2] : memref<16384xi32, #tpu.memory_space<hbm>> -> memref<512xi32, #tpu.memory_space<hbm>>
      tpu.enqueue_dma source(%dma_start3A_51 : memref<512xi32, #tpu.memory_space<hbm>>) target(%arg7 : memref<512xi32, #tpu.memory_space<vmem>>) target_semaphore(%run_scoped3A : memref<!tpu.dma_semaphore, #tpu.memory_space<semaphore_mem>>)
      %dma_wait3A = tpu.memref_slice %arg2[%mul3A_2] : memref<16384xi32, #tpu.memory_space<hbm>> -> memref<512xi32, #tpu.memory_space<hbm>>
      %dma_wait3A_52 = tpu.memref_slice %arg2[%mul3A_2] : memref<16384xi32, #tpu.memory_space<hbm>> -> memref<512xi32, #tpu.memory_space<hbm>>
      tpu.wait_dma2 semaphore(%run_scoped3A : memref<!tpu.dma_semaphore, #tpu.memory_space<semaphore_mem>>) src(%dma_wait3A_52 : memref<512xi32, #tpu.memory_space<hbm>>) dst(%arg7 : memref<512xi32, #tpu.memory_space<vmem>>)
      tpu.yield
    }) : () -> ()
    %mul3A_3 = arith.constant 10752 : i32
    %mul3A_4 = arith.muli %add3A, %mul3A_3 : i32
    "tpu.region"() ({
      %run_scoped3A = tpu.sem_alloc : memref<!tpu.dma_semaphore, #tpu.memory_space<semaphore_mem>>
      %dma_start3A_50 = tpu.memref_slice %arg3[%mul3A_4] : memref<344064xi32, #tpu.memory_space<hbm>> -> memref<10752xi32, #tpu.memory_space<hbm>>
      %dma_start3A_51 = tpu.memref_slice %arg3[%mul3A_4] : memref<344064xi32, #tpu.memory_space<hbm>> -> memref<10752xi32, #tpu.memory_space<hbm>>
      tpu.enqueue_dma source(%dma_start3A_51 : memref<10752xi32, #tpu.memory_space<hbm>>) target(%arg8 : memref<10752xi32, #tpu.memory_space<vmem>>) target_semaphore(%run_scoped3A : memref<!tpu.dma_semaphore, #tpu.memory_space<semaphore_mem>>)
      %dma_wait3A = tpu.memref_slice %arg3[%mul3A_4] : memref<344064xi32, #tpu.memory_space<hbm>> -> memref<10752xi32, #tpu.memory_space<hbm>>
      %dma_wait3A_52 = tpu.memref_slice %arg3[%mul3A_4] : memref<344064xi32, #tpu.memory_space<hbm>> -> memref<10752xi32, #tpu.memory_space<hbm>>
      tpu.wait_dma2 semaphore(%run_scoped3A : memref<!tpu.dma_semaphore, #tpu.memory_space<semaphore_mem>>) src(%dma_wait3A_52 : memref<10752xi32, #tpu.memory_space<hbm>>) dst(%arg8 : memref<10752xi32, #tpu.memory_space<vmem>>)
      tpu.yield
    }) : () -> ()
    %eq3A = arith.constant 0 : i32
    %eq3A_5 = vector.broadcast %eq3A : i32 to vector<16xi32>
    %eq3A_6 = arith.cmpi eq, %iota3A, %eq3A_5 : vector<16xi32>
    %add3A_7 = arith.constant 8 : i32
    %add3A_8 = vector.broadcast %add3A_7 : i32 to vector<16xi32>
    %add3A_9 = arith.addi %iota3A, %add3A_8 : vector<16xi32>
    %and3A = arith.constant 15 : i32
    %and3A_10 = vector.broadcast %and3A : i32 to vector<16xi32>
    %and3A_11 = arith.andi %add3A_9, %and3A_10 : vector<16xi32>
    %broadcast_in_dim3A = vector.shape_cast %and3A_11 : vector<16xi32> to vector<16x1xi32>
    %add3A_12 = arith.constant 4 : i32
    %add3A_13 = vector.broadcast %add3A_12 : i32 to vector<16xi32>
    %add3A_14 = arith.addi %iota3A, %add3A_13 : vector<16xi32>
    %and3A_15 = arith.constant 15 : i32
    %and3A_16 = vector.broadcast %and3A_15 : i32 to vector<16xi32>
    %and3A_17 = arith.andi %add3A_14, %and3A_16 : vector<16xi32>
    %broadcast_in_dim3A_18 = vector.shape_cast %and3A_17 : vector<16xi32> to vector<16x1xi32>
    %add3A_19 = arith.constant 2 : i32
    %add3A_20 = vector.broadcast %add3A_19 : i32 to vector<16xi32>
    %add3A_21 = arith.addi %iota3A, %add3A_20 : vector<16xi32>
    %and3A_22 = arith.constant 15 : i32
    %and3A_23 = vector.broadcast %and3A_22 : i32 to vector<16xi32>
    %and3A_24 = arith.andi %add3A_21, %and3A_23 : vector<16xi32>
    %broadcast_in_dim3A_25 = vector.shape_cast %and3A_24 : vector<16xi32> to vector<16x1xi32>
    %add3A_26 = arith.constant 1 : i32
    %add3A_27 = vector.broadcast %add3A_26 : i32 to vector<16xi32>
    %add3A_28 = arith.addi %iota3A, %add3A_27 : vector<16xi32>
    %and3A_29 = arith.constant 15 : i32
    %and3A_30 = vector.broadcast %and3A_29 : i32 to vector<16xi32>
    %and3A_31 = arith.andi %add3A_28, %and3A_30 : vector<16xi32>
    %broadcast_in_dim3A_32 = vector.shape_cast %and3A_31 : vector<16xi32> to vector<16x1xi32>
    %dma_start3A = arith.constant 0 : i32
    %dma_start3A_33 = tpu.memref_slice %arg7[%dma_start3A] : memref<512xi32, #tpu.memory_space<vmem>> -> memref<16xi32, #tpu.memory_space<vmem>>
    %dma_start3A_34 = arith.constant 0 : i32
    %dma_start3A_35 = arith.constant 0 : i32
    %dma_start3A_36 = tpu.memref_slice %arg4[%dma_start3A_34, %dma_start3A_35] : memref<1000000x128xf32, #tpu.memory_space<hbm>> -> memref<1000000x128xf32, #tpu.memory_space<hbm>>
    tpu.enqueue_indirect_dma source(%dma_start3A_36 : memref<1000000x128xf32, #tpu.memory_space<hbm>>) target(%arg9 : memref<16x128xf32, #tpu.memory_space<vmem>>) offsets(%dma_start3A_33 : memref<16xi32, #tpu.memory_space<vmem>>) semaphore(%arg14 : memref<!tpu.dma_semaphore, #tpu.memory_space<semaphore_mem>>)
    %dma_start3A_37 = arith.constant 0 : i32
    %dma_start3A_38 = tpu.memref_slice %arg8[%dma_start3A_37] : memref<10752xi32, #tpu.memory_space<vmem>> -> memref<336xi32, #tpu.memory_space<vmem>>
    %dma_start3A_39 = arith.constant 0 : i32
    %dma_start3A_40 = arith.constant 0 : i32
    %dma_start3A_41 = tpu.memref_slice %arg5[%dma_start3A_39, %dma_start3A_40] : memref<1000000x128xf32, #tpu.memory_space<hbm>> -> memref<1000000x128xf32, #tpu.memory_space<hbm>>
    tpu.enqueue_indirect_dma source(%dma_start3A_41 : memref<1000000x128xf32, #tpu.memory_space<hbm>>) target(%arg10 : memref<336x128xf32, #tpu.memory_space<vmem>>) offsets(%dma_start3A_38 : memref<336xi32, #tpu.memory_space<vmem>>) semaphore(%arg14 : memref<!tpu.dma_semaphore, #tpu.memory_space<semaphore_mem>>)
    %scan3A = arith.constant 0 : i32
    %scan3A_42 = arith.constant 0 : i32
    %scan3A_43 = arith.constant 16 : i32
    %scan3A_44 = arith.addi %scan3A_42, %scan3A_43 : i32
    %scan3A_45 = arith.constant 1 : i32
    %scan3A_46 = scf.for %scan3A_50 = %scan3A_42 to %scan3A_44 step %scan3A_45 iter_args(%scan3A_51 = %scan3A) -> (i32)  : i32 {
      %mul3A_52 = arith.constant 2 : i32
      %mul3A_53 = arith.muli %mul3A_52, %scan3A_50 : i32
      %add3A_54 = arith.constant 1 : i32
      %add3A_55 = arith.addi %mul3A_53, %add3A_54 : i32
      %mul3A_56 = arith.constant 16 : i32
      %mul3A_57 = arith.muli %add3A_55, %mul3A_56 : i32
      %mul3A_58 = arith.constant 336 : i32
      %mul3A_59 = arith.muli %add3A_55, %mul3A_58 : i32
      %dma_start3A_60 = tpu.memref_slice %arg7[%mul3A_57] : memref<512xi32, #tpu.memory_space<vmem>> -> memref<16xi32, #tpu.memory_space<vmem>>
      %dma_start3A_61 = arith.constant 0 : i32
      %dma_start3A_62 = arith.constant 0 : i32
      %dma_start3A_63 = tpu.memref_slice %arg4[%dma_start3A_61, %dma_start3A_62] : memref<1000000x128xf32, #tpu.memory_space<hbm>> -> memref<1000000x128xf32, #tpu.memory_space<hbm>>
      tpu.enqueue_indirect_dma source(%dma_start3A_63 : memref<1000000x128xf32, #tpu.memory_space<hbm>>) target(%arg11 : memref<16x128xf32, #tpu.memory_space<vmem>>) offsets(%dma_start3A_60 : memref<16xi32, #tpu.memory_space<vmem>>) semaphore(%arg15 : memref<!tpu.dma_semaphore, #tpu.memory_space<semaphore_mem>>)
      %dma_start3A_64 = tpu.memref_slice %arg8[%mul3A_59] : memref<10752xi32, #tpu.memory_space<vmem>> -> memref<336xi32, #tpu.memory_space<vmem>>
      %dma_start3A_65 = arith.constant 0 : i32
      %dma_start3A_66 = arith.constant 0 : i32
      %dma_start3A_67 = tpu.memref_slice %arg5[%dma_start3A_65, %dma_start3A_66] : memref<1000000x128xf32, #tpu.memory_space<hbm>> -> memref<1000000x128xf32, #tpu.memory_space<hbm>>
      tpu.enqueue_indirect_dma source(%dma_start3A_67 : memref<1000000x128xf32, #tpu.memory_space<hbm>>) target(%arg12 : memref<336x128xf32, #tpu.memory_space<vmem>>) offsets(%dma_start3A_64 : memref<336xi32, #tpu.memory_space<vmem>>) semaphore(%arg15 : memref<!tpu.dma_semaphore, #tpu.memory_space<semaphore_mem>>)
      %mul3A_68 = arith.constant 16 : i32
      %mul3A_69 = arith.muli %mul3A_53, %mul3A_68 : i32
      %mul3A_70 = arith.constant 336 : i32
      %mul3A_71 = arith.muli %mul3A_53, %mul3A_70 : i32
      %dma_wait3A = tpu.memref_slice %arg7[%mul3A_69] : memref<512xi32, #tpu.memory_space<vmem>> -> memref<16xi32, #tpu.memory_space<vmem>>
      %dma_wait3A_72 = arith.constant 0 : i32
      %dma_wait3A_73 = arith.constant 0 : i32
      %dma_wait3A_74 = tpu.memref_slice %arg4[%dma_wait3A_72, %dma_wait3A_73] : memref<1000000x128xf32, #tpu.memory_space<hbm>> -> memref<1000000x128xf32, #tpu.memory_space<hbm>>
      tpu.wait_indirect_dma semaphore(%arg14 : memref<!tpu.dma_semaphore, #tpu.memory_space<semaphore_mem>>) src(%dma_wait3A_74 : memref<1000000x128xf32, #tpu.memory_space<hbm>>) dst(%arg9 : memref<16x128xf32, #tpu.memory_space<vmem>>)
      %dma_wait3A_75 = tpu.memref_slice %arg8[%mul3A_71] : memref<10752xi32, #tpu.memory_space<vmem>> -> memref<336xi32, #tpu.memory_space<vmem>>
      %dma_wait3A_76 = arith.constant 0 : i32
      %dma_wait3A_77 = arith.constant 0 : i32
      %dma_wait3A_78 = tpu.memref_slice %arg5[%dma_wait3A_76, %dma_wait3A_77] : memref<1000000x128xf32, #tpu.memory_space<hbm>> -> memref<1000000x128xf32, #tpu.memory_space<hbm>>
      tpu.wait_indirect_dma semaphore(%arg14 : memref<!tpu.dma_semaphore, #tpu.memory_space<semaphore_mem>>) src(%dma_wait3A_78 : memref<1000000x128xf32, #tpu.memory_space<hbm>>) dst(%arg10 : memref<336x128xf32, #tpu.memory_space<vmem>>)
      %mul3A_79 = arith.constant 336 : i32
      %mul3A_80 = arith.muli %mul3A_53, %mul3A_79 : i32
      %scan3A_81 = arith.constant 0 : i32
      %scan3A_82 = arith.constant 0 : i32
      %scan3A_83 = arith.constant 16 : i32
      %scan3A_84 = arith.addi %scan3A_82, %scan3A_83 : i32
      %scan3A_85 = arith.constant 1 : i32
      %scan3A_86 = scf.for %scan3A_116 = %scan3A_82 to %scan3A_84 step %scan3A_85 iter_args(%scan3A_117 = %scan3A_81) -> (i32)  : i32 {
        %get3A = arith.index_cast %scan3A_116 : i32 to index
        %get3A_118 = arith.constant 0 : index
        %get3A_119 = tpu.vector_load %arg9[%get3A, %get3A_118] {strides = array<i32>} : memref<16x128xf32, #tpu.memory_space<vmem>>, vector<16xf32>,
        %get3A_120 = arith.index_cast %scan3A_116 : i32 to index
        %get3A_121 = arith.constant 16 : index
        %get3A_122 = tpu.vector_load %arg9[%get3A_120, %get3A_121] {strides = array<i32>} : memref<16x128xf32, #tpu.memory_space<vmem>>, vector<16xf32>,
        %get3A_123 = arith.index_cast %scan3A_116 : i32 to index
        %get3A_124 = arith.constant 32 : index
        %get3A_125 = tpu.vector_load %arg9[%get3A_123, %get3A_124] {strides = array<i32>} : memref<16x128xf32, #tpu.memory_space<vmem>>, vector<16xf32>,
        %get3A_126 = arith.index_cast %scan3A_116 : i32 to index
        %get3A_127 = arith.constant 48 : index
        %get3A_128 = tpu.vector_load %arg9[%get3A_126, %get3A_127] {strides = array<i32>} : memref<16x128xf32, #tpu.memory_space<vmem>>, vector<16xf32>,
        %get3A_129 = arith.index_cast %scan3A_116 : i32 to index
        %get3A_130 = arith.constant 0 : index
        %get3A_131 = tpu.vector_load %arg10[%get3A_129, %get3A_130] {strides = array<i32>} : memref<336x128xf32, #tpu.memory_space<vmem>>, vector<16xf32>,
        %mul3A_132 = arith.mulf %get3A_131, %get3A_119 : vector<16xf32>
        %get3A_133 = arith.index_cast %scan3A_116 : i32 to index
        %get3A_134 = arith.constant 16 : index
        %get3A_135 = tpu.vector_load %arg10[%get3A_133, %get3A_134] {strides = array<i32>} : memref<336x128xf32, #tpu.memory_space<vmem>>, vector<16xf32>,
        %mul3A_136 = arith.mulf %get3A_135, %get3A_122 : vector<16xf32>
        %add3A_137 = arith.addf %mul3A_132, %mul3A_136 : vector<16xf32>
        %get3A_138 = arith.index_cast %scan3A_116 : i32 to index
        %get3A_139 = arith.constant 32 : index
        %get3A_140 = tpu.vector_load %arg10[%get3A_138, %get3A_139] {strides = array<i32>} : memref<336x128xf32, #tpu.memory_space<vmem>>, vector<16xf32>,
        %mul3A_141 = arith.mulf %get3A_140, %get3A_125 : vector<16xf32>
        %add3A_142 = arith.addf %add3A_137, %mul3A_141 : vector<16xf32>
        %get3A_143 = arith.index_cast %scan3A_116 : i32 to index
        %get3A_144 = arith.constant 48 : index
        %get3A_145 = tpu.vector_load %arg10[%get3A_143, %get3A_144] {strides = array<i32>} : memref<336x128xf32, #tpu.memory_space<vmem>>, vector<16xf32>,
        %mul3A_146 = arith.mulf %get3A_145, %get3A_128 : vector<16xf32>
        %add3A_147 = arith.addf %add3A_142, %mul3A_146 : vector<16xf32>
        %gather3A = vector.shape_cast %broadcast_in_dim3A : vector<16x1xi32> to vector<16xi32>
        %gather3A_148 = tpu.dynamic_gather %add3A_147[%gather3A] in [0] : vector<16xf32>, vector<16xi32> -> vector<16xf32>
        %add3A_149 = arith.addf %add3A_147, %gather3A_148 : vector<16xf32>
        %gather3A_150 = vector.shape_cast %broadcast_in_dim3A_18 : vector<16x1xi32> to vector<16xi32>
        %gather3A_151 = tpu.dynamic_gather %add3A_149[%gather3A_150] in [0] : vector<16xf32>, vector<16xi32> -> vector<16xf32>
        %add3A_152 = arith.addf %add3A_149, %gather3A_151 : vector<16xf32>
        %gather3A_153 = vector.shape_cast %broadcast_in_dim3A_25 : vector<16x1xi32> to vector<16xi32>
        %gather3A_154 = tpu.dynamic_gather %add3A_152[%gather3A_153] in [0] : vector<16xf32>, vector<16xi32> -> vector<16xf32>
        %add3A_155 = arith.addf %add3A_152, %gather3A_154 : vector<16xf32>
        %gather3A_156 = vector.shape_cast %broadcast_in_dim3A_32 : vector<16x1xi32> to vector<16xi32>
        %gather3A_157 = tpu.dynamic_gather %add3A_155[%gather3A_156] in [0] : vector<16xf32>, vector<16xi32> -> vector<16xf32>
        %add3A_158 = arith.addf %add3A_155, %gather3A_157 : vector<16xf32>
        %broadcast_in_dim3A_159 = arith.constant 320 : i32
        %broadcast_in_dim3A_160 = vector.broadcast %broadcast_in_dim3A_159 : i32 to vector<16xi32>
        %add3A_161 = arith.addi %mul3A_80, %scan3A_116 : i32
        %add3A_162 = vector.broadcast %add3A_161 : i32 to vector<16xi32>
        %add3A_163 = arith.addi %broadcast_in_dim3A_160, %add3A_162 : vector<16xi32>
        tpu.vector_store_idx %arg13[%add3A_163], %add3A_158 masked %eq3A_6 : memref<10752xf32, #tpu.memory_space<vmem>>[vector<16xi32>], vector<16xf32>, vector<16xi1>
        %scan3A_164 = arith.constant 0 : i32
        %scan3A_165 = arith.constant 0 : i32
        %scan3A_166 = arith.constant 10 : i32
        %scan3A_167 = arith.addi %scan3A_165, %scan3A_166 : i32
        %scan3A_168 = arith.constant 1 : i32
        %scan3A_169 = scf.for %scan3A_172 = %scan3A_165 to %scan3A_167 step %scan3A_168 iter_args(%scan3A_173 = %scan3A_164) -> (i32)  : i32 {
          %mul3A_174 = arith.constant 20 : i32
          %mul3A_175 = arith.muli %scan3A_116, %mul3A_174 : i32
          %add3A_176 = arith.constant 16 : i32
          %add3A_177 = arith.addi %add3A_176, %mul3A_175 : i32
          %mul3A_178 = arith.constant 2 : i32
          %mul3A_179 = arith.muli %mul3A_178, %scan3A_172 : i32
          %add3A_180 = arith.addi %add3A_177, %mul3A_179 : i32
          %add3A_181 = arith.constant 0 : i32
          %add3A_182 = arith.addi %add3A_180, %add3A_181 : i32
          %get3A_183 = arith.index_cast %add3A_182 : i32 to index
          %get3A_184 = arith.constant 0 : index
          %get3A_185 = tpu.vector_load %arg10[%get3A_183, %get3A_184] {strides = array<i32>} : memref<336x128xf32, #tpu.memory_space<vmem>>, vector<16xf32>,
          %mul3A_186 = arith.mulf %get3A_185, %get3A_119 : vector<16xf32>
          %get3A_187 = arith.index_cast %add3A_182 : i32 to index
          %get3A_188 = arith.constant 16 : index
          %get3A_189 = tpu.vector_load %arg10[%get3A_187, %get3A_188] {strides = array<i32>} : memref<336x128xf32, #tpu.memory_space<vmem>>, vector<16xf32>,
          %mul3A_190 = arith.mulf %get3A_189, %get3A_122 : vector<16xf32>
          %add3A_191 = arith.addf %mul3A_186, %mul3A_190 : vector<16xf32>
          %get3A_192 = arith.index_cast %add3A_182 : i32 to index
          %get3A_193 = arith.constant 32 : index
          %get3A_194 = tpu.vector_load %arg10[%get3A_192, %get3A_193] {strides = array<i32>} : memref<336x128xf32, #tpu.memory_space<vmem>>, vector<16xf32>,
          %mul3A_195 = arith.mulf %get3A_194, %get3A_125 : vector<16xf32>
          %add3A_196 = arith.addf %add3A_191, %mul3A_195 : vector<16xf32>
          %get3A_197 = arith.index_cast %add3A_182 : i32 to index
          %get3A_198 = arith.constant 48 : index
          %get3A_199 = tpu.vector_load %arg10[%get3A_197, %get3A_198] {strides = array<i32>} : memref<336x128xf32, #tpu.memory_space<vmem>>, vector<16xf32>,
          %mul3A_200 = arith.mulf %get3A_199, %get3A_128 : vector<16xf32>
          %add3A_201 = arith.addf %add3A_196, %mul3A_200 : vector<16xf32>
          %gather3A_202 = vector.shape_cast %broadcast_in_dim3A : vector<16x1xi32> to vector<16xi32>
          %gather3A_203 = tpu.dynamic_gather %add3A_201[%gather3A_202] in [0] : vector<16xf32>, vector<16xi32> -> vector<16xf32>
          %add3A_204 = arith.addf %add3A_201, %gather3A_203 : vector<16xf32>
          %gather3A_205 = vector.shape_cast %broadcast_in_dim3A_18 : vector<16x1xi32> to vector<16xi32>
          %gather3A_206 = tpu.dynamic_gather %add3A_204[%gather3A_205] in [0] : vector<16xf32>, vector<16xi32> -> vector<16xf32>
          %add3A_207 = arith.addf %add3A_204, %gather3A_206 : vector<16xf32>
          %gather3A_208 = vector.shape_cast %broadcast_in_dim3A_25 : vector<16x1xi32> to vector<16xi32>
          %gather3A_209 = tpu.dynamic_gather %add3A_207[%gather3A_208] in [0] : vector<16xf32>, vector<16xi32> -> vector<16xf32>
          %add3A_210 = arith.addf %add3A_207, %gather3A_209 : vector<16xf32>
          %gather3A_211 = vector.shape_cast %broadcast_in_dim3A_32 : vector<16x1xi32> to vector<16xi32>
          %gather3A_212 = tpu.dynamic_gather %add3A_210[%gather3A_211] in [0] : vector<16xf32>, vector<16xi32> -> vector<16xf32>
          %add3A_213 = arith.addf %add3A_210, %gather3A_212 : vector<16xf32>
          %mul3A_214 = arith.constant 2 : i32
          %mul3A_215 = arith.muli %mul3A_214, %scan3A_172 : i32
          %add3A_216 = arith.constant 0 : i32
          %add3A_217 = arith.addi %mul3A_215, %add3A_216 : i32
          %mul3A_218 = arith.constant 16 : i32
          %mul3A_219 = arith.muli %add3A_217, %mul3A_218 : i32
          %broadcast_in_dim3A_220 = arith.constant 0 : i32
          %broadcast_in_dim3A_221 = vector.broadcast %broadcast_in_dim3A_220 : i32 to vector<16xi32>
          %add3A_222 = vector.broadcast %mul3A_219 : i32 to vector<16xi32>
          %add3A_223 = arith.addi %add3A_222, %broadcast_in_dim3A_221 : vector<16xi32>
          %add3A_224 = arith.addi %mul3A_80, %scan3A_116 : i32
          %add3A_225 = vector.broadcast %add3A_224 : i32 to vector<16xi32>
          %add3A_226 = arith.addi %add3A_223, %add3A_225 : vector<16xi32>
          %neg3A = arith.constant 0.000000e+00 : f32
          %neg3A_227 = vector.broadcast %neg3A : f32 to vector<16xf32>
          %neg3A_228 = arith.subf %neg3A_227, %add3A_213 : vector<16xf32>
          tpu.vector_store_idx %arg13[%add3A_226], %neg3A_228 masked %eq3A_6 : memref<10752xf32, #tpu.memory_space<vmem>>[vector<16xi32>], vector<16xf32>, vector<16xi1>
          %mul3A_229 = arith.constant 20 : i32
          %mul3A_230 = arith.muli %scan3A_116, %mul3A_229 : i32
          %add3A_231 = arith.constant 16 : i32
          %add3A_232 = arith.addi %add3A_231, %mul3A_230 : i32
          %mul3A_233 = arith.constant 2 : i32
          %mul3A_234 = arith.muli %mul3A_233, %scan3A_172 : i32
          %add3A_235 = arith.addi %add3A_232, %mul3A_234 : i32
          %add3A_236 = arith.constant 1 : i32
          %add3A_237 = arith.addi %add3A_235, %add3A_236 : i32
          %get3A_238 = arith.index_cast %add3A_237 : i32 to index
          %get3A_239 = arith.constant 0 : index
          %get3A_240 = tpu.vector_load %arg10[%get3A_238, %get3A_239] {strides = array<i32>} : memref<336x128xf32, #tpu.memory_space<vmem>>, vector<16xf32>,
          %mul3A_241 = arith.mulf %get3A_240, %get3A_119 : vector<16xf32>
          %get3A_242 = arith.index_cast %add3A_237 : i32 to index
          %get3A_243 = arith.constant 16 : index
          %get3A_244 = tpu.vector_load %arg10[%get3A_242, %get3A_243] {strides = array<i32>} : memref<336x128xf32, #tpu.memory_space<vmem>>, vector<16xf32>,
          %mul3A_245 = arith.mulf %get3A_244, %get3A_122 : vector<16xf32>
          %add3A_246 = arith.addf %mul3A_241, %mul3A_245 : vector<16xf32>
          %get3A_247 = arith.index_cast %add3A_237 : i32 to index
          %get3A_248 = arith.constant 32 : index
          %get3A_249 = tpu.vector_load %arg10[%get3A_247, %get3A_248] {strides = array<i32>} : memref<336x128xf32, #tpu.memory_space<vmem>>, vector<16xf32>,
          %mul3A_250 = arith.mulf %get3A_249, %get3A_125 : vector<16xf32>
          %add3A_251 = arith.addf %add3A_246, %mul3A_250 : vector<16xf32>
          %get3A_252 = arith.index_cast %add3A_237 : i32 to index
          %get3A_253 = arith.constant 48 : index
          %get3A_254 = tpu.vector_load %arg10[%get3A_252, %get3A_253] {strides = array<i32>} : memref<336x128xf32, #tpu.memory_space<vmem>>, vector<16xf32>,
          %mul3A_255 = arith.mulf %get3A_254, %get3A_128 : vector<16xf32>
          %add3A_256 = arith.addf %add3A_251, %mul3A_255 : vector<16xf32>
          %gather3A_257 = vector.shape_cast %broadcast_in_dim3A : vector<16x1xi32> to vector<16xi32>
          %gather3A_258 = tpu.dynamic_gather %add3A_256[%gather3A_257] in [0] : vector<16xf32>, vector<16xi32> -> vector<16xf32>
          %add3A_259 = arith.addf %add3A_256, %gather3A_258 : vector<16xf32>
          %gather3A_260 = vector.shape_cast %broadcast_in_dim3A_18 : vector<16x1xi32> to vector<16xi32>
          %gather3A_261 = tpu.dynamic_gather %add3A_259[%gather3A_260] in [0] : vector<16xf32>, vector<16xi32> -> vector<16xf32>
          %add3A_262 = arith.addf %add3A_259, %gather3A_261 : vector<16xf32>
          %gather3A_263 = vector.shape_cast %broadcast_in_dim3A_25 : vector<16x1xi32> to vector<16xi32>
          %gather3A_264 = tpu.dynamic_gather %add3A_262[%gather3A_263] in [0] : vector<16xf32>, vector<16xi32> -> vector<16xf32>
          %add3A_265 = arith.addf %add3A_262, %gather3A_264 : vector<16xf32>
          %gather3A_266 = vector.shape_cast %broadcast_in_dim3A_32 : vector<16x1xi32> to vector<16xi32>
          %gather3A_267 = tpu.dynamic_gather %add3A_265[%gather3A_266] in [0] : vector<16xf32>, vector<16xi32> -> vector<16xf32>
          %add3A_268 = arith.addf %add3A_265, %gather3A_267 : vector<16xf32>
          %mul3A_269 = arith.constant 2 : i32
          %mul3A_270 = arith.muli %mul3A_269, %scan3A_172 : i32
          %add3A_271 = arith.constant 1 : i32
          %add3A_272 = arith.addi %mul3A_270, %add3A_271 : i32
          %mul3A_273 = arith.constant 16 : i32
          %mul3A_274 = arith.muli %add3A_272, %mul3A_273 : i32
          %broadcast_in_dim3A_275 = arith.constant 0 : i32
          %broadcast_in_dim3A_276 = vector.broadcast %broadcast_in_dim3A_275 : i32 to vector<16xi32>
          %add3A_277 = vector.broadcast %mul3A_274 : i32 to vector<16xi32>
          %add3A_278 = arith.addi %add3A_277, %broadcast_in_dim3A_276 : vector<16xi32>
          %add3A_279 = arith.addi %mul3A_80, %scan3A_116 : i32
          %add3A_280 = vector.broadcast %add3A_279 : i32 to vector<16xi32>
          %add3A_281 = arith.addi %add3A_278, %add3A_280 : vector<16xi32>
          %neg3A_282 = arith.constant 0.000000e+00 : f32
          %neg3A_283 = vector.broadcast %neg3A_282 : f32 to vector<16xf32>
          %neg3A_284 = arith.subf %neg3A_283, %add3A_268 : vector<16xf32>
          tpu.vector_store_idx %arg13[%add3A_281], %neg3A_284 masked %eq3A_6 : memref<10752xf32, #tpu.memory_space<vmem>>[vector<16xi32>], vector<16xf32>, vector<16xi1>
          %scan3A_285 = arith.constant 0 : i32
          scf.yield %scan3A_285 : i32
        }
        %scan3A_170 = arith.constant 10 : i32
        %scan3A_171 = arith.constant 0 : i32
        scf.yield %scan3A_171 : i32
      }
      %scan3A_87 = arith.constant 16 : i32
      %lt3A = arith.constant 15 : i32
      %lt3A_88 = arith.cmpi slt, %scan3A_50, %lt3A : i32
      %convert_element_type3A = arith.extui %lt3A_88 : i1 to i32
      %cond3A = arith.constant 0 : i32
      %cond3A_89 = arith.cmpi ne, %convert_element_type3A, %cond3A : i32
      scf.if %cond3A_89 {
        %add3A_116 = arith.constant 2 : i32
        %add3A_117 = arith.addi %mul3A_53, %add3A_116 : i32
        %mul3A_118 = arith.constant 16 : i32
        %mul3A_119 = arith.muli %add3A_117, %mul3A_118 : i32
        %mul3A_120 = arith.constant 336 : i32
        %mul3A_121 = arith.muli %add3A_117, %mul3A_120 : i32
        %dma_start3A_122 = tpu.memref_slice %arg7[%mul3A_119] : memref<512xi32, #tpu.memory_space<vmem>> -> memref<16xi32, #tpu.memory_space<vmem>>
        %dma_start3A_123 = arith.constant 0 : i32
        %dma_start3A_124 = arith.constant 0 : i32
        %dma_start3A_125 = tpu.memref_slice %arg4[%dma_start3A_123, %dma_start3A_124] : memref<1000000x128xf32, #tpu.memory_space<hbm>> -> memref<1000000x128xf32, #tpu.memory_space<hbm>>
        tpu.enqueue_indirect_dma source(%dma_start3A_125 : memref<1000000x128xf32, #tpu.memory_space<hbm>>) target(%arg9 : memref<16x128xf32, #tpu.memory_space<vmem>>) offsets(%dma_start3A_122 : memref<16xi32, #tpu.memory_space<vmem>>) semaphore(%arg14 : memref<!tpu.dma_semaphore, #tpu.memory_space<semaphore_mem>>)
        %dma_start3A_126 = tpu.memref_slice %arg8[%mul3A_121] : memref<10752xi32, #tpu.memory_space<vmem>> -> memref<336xi32, #tpu.memory_space<vmem>>
        %dma_start3A_127 = arith.constant 0 : i32
        %dma_start3A_128 = arith.constant 0 : i32
        %dma_start3A_129 = tpu.memref_slice %arg5[%dma_start3A_127, %dma_start3A_128] : memref<1000000x128xf32, #tpu.memory_space<hbm>> -> memref<1000000x128xf32, #tpu.memory_space<hbm>>
        tpu.enqueue_indirect_dma source(%dma_start3A_129 : memref<1000000x128xf32, #tpu.memory_space<hbm>>) target(%arg10 : memref<336x128xf32, #tpu.memory_space<vmem>>) offsets(%dma_start3A_126 : memref<336xi32, #tpu.memory_space<vmem>>) semaphore(%arg14 : memref<!tpu.dma_semaphore, #tpu.memory_space<semaphore_mem>>)
      } else {
      }
      %add3A_90 = arith.constant 1 : i32
      %add3A_91 = arith.addi %mul3A_53, %add3A_90 : i32
      %mul3A_92 = arith.constant 16 : i32
      %mul3A_93 = arith.muli %add3A_91, %mul3A_92 : i32
      %mul3A_94 = arith.constant 336 : i32
      %mul3A_95 = arith.muli %add3A_91, %mul3A_94 : i32
      %dma_wait3A_96 = tpu.memref_slice %arg7[%mul3A_93] : memref<512xi32, #tpu.memory_space<vmem>> -> memref<16xi32, #tpu.memory_space<vmem>>
      %dma_wait3A_97 = arith.constant 0 : i32
      %dma_wait3A_98 = arith.constant 0 : i32
      %dma_wait3A_99 = tpu.memref_slice %arg4[%dma_wait3A_97, %dma_wait3A_98] : memref<1000000x128xf32, #tpu.memory_space<hbm>> -> memref<1000000x128xf32, #tpu.memory_space<hbm>>
      tpu.wait_indirect_dma semaphore(%arg15 : memref<!tpu.dma_semaphore, #tpu.memory_space<semaphore_mem>>) src(%dma_wait3A_99 : memref<1000000x128xf32, #tpu.memory_space<hbm>>) dst(%arg11 : memref<16x128xf32, #tpu.memory_space<vmem>>)
      %dma_wait3A_100 = tpu.memref_slice %arg8[%mul3A_95] : memref<10752xi32, #tpu.memory_space<vmem>> -> memref<336xi32, #tpu.memory_space<vmem>>
      %dma_wait3A_101 = arith.constant 0 : i32
      %dma_wait3A_102 = arith.constant 0 : i32
      %dma_wait3A_103 = tpu.memref_slice %arg5[%dma_wait3A_101, %dma_wait3A_102] : memref<1000000x128xf32, #tpu.memory_space<hbm>> -> memref<1000000x128xf32, #tpu.memory_space<hbm>>
      tpu.wait_indirect_dma semaphore(%arg15 : memref<!tpu.dma_semaphore, #tpu.memory_space<semaphore_mem>>) src(%dma_wait3A_103 : memref<1000000x128xf32, #tpu.memory_space<hbm>>) dst(%arg12 : memref<336x128xf32, #tpu.memory_space<vmem>>)
      %add3A_104 = arith.constant 1 : i32
      %add3A_105 = arith.addi %mul3A_53, %add3A_104 : i32
      %mul3A_106 = arith.constant 336 : i32
      %mul3A_107 = arith.muli %add3A_105, %mul3A_106 : i32
      %scan3A_108 = arith.constant 0 : i32
      %scan3A_109 = arith.constant 0 : i32
      %scan3A_110 = arith.constant 16 : i32
      %scan3A_111 = arith.addi %scan3A_109, %scan3A_110 : i32
      %scan3A_112 = arith.constant 1 : i32
      %scan3A_113 = scf.for %scan3A_116 = %scan3A_109 to %scan3A_111 step %scan3A_112 iter_args(%scan3A_117 = %scan3A_108) -> (i32)  : i32 {
        %get3A = arith.index_cast %scan3A_116 : i32 to index
        %get3A_118 = arith.constant 0 : index
        %get3A_119 = tpu.vector_load %arg11[%get3A, %get3A_118] {strides = array<i32>} : memref<16x128xf32, #tpu.memory_space<vmem>>, vector<16xf32>,
        %get3A_120 = arith.index_cast %scan3A_116 : i32 to index
        %get3A_121 = arith.constant 16 : index
        %get3A_122 = tpu.vector_load %arg11[%get3A_120, %get3A_121] {strides = array<i32>} : memref<16x128xf32, #tpu.memory_space<vmem>>, vector<16xf32>,
        %get3A_123 = arith.index_cast %scan3A_116 : i32 to index
        %get3A_124 = arith.constant 32 : index
        %get3A_125 = tpu.vector_load %arg11[%get3A_123, %get3A_124] {strides = array<i32>} : memref<16x128xf32, #tpu.memory_space<vmem>>, vector<16xf32>,
        %get3A_126 = arith.index_cast %scan3A_116 : i32 to index
        %get3A_127 = arith.constant 48 : index
        %get3A_128 = tpu.vector_load %arg11[%get3A_126, %get3A_127] {strides = array<i32>} : memref<16x128xf32, #tpu.memory_space<vmem>>, vector<16xf32>,
        %get3A_129 = arith.index_cast %scan3A_116 : i32 to index
        %get3A_130 = arith.constant 0 : index
        %get3A_131 = tpu.vector_load %arg12[%get3A_129, %get3A_130] {strides = array<i32>} : memref<336x128xf32, #tpu.memory_space<vmem>>, vector<16xf32>,
        %mul3A_132 = arith.mulf %get3A_131, %get3A_119 : vector<16xf32>
        %get3A_133 = arith.index_cast %scan3A_116 : i32 to index
        %get3A_134 = arith.constant 16 : index
        %get3A_135 = tpu.vector_load %arg12[%get3A_133, %get3A_134] {strides = array<i32>} : memref<336x128xf32, #tpu.memory_space<vmem>>, vector<16xf32>,
        %mul3A_136 = arith.mulf %get3A_135, %get3A_122 : vector<16xf32>
        %add3A_137 = arith.addf %mul3A_132, %mul3A_136 : vector<16xf32>
        %get3A_138 = arith.index_cast %scan3A_116 : i32 to index
        %get3A_139 = arith.constant 32 : index
        %get3A_140 = tpu.vector_load %arg12[%get3A_138, %get3A_139] {strides = array<i32>} : memref<336x128xf32, #tpu.memory_space<vmem>>, vector<16xf32>,
        %mul3A_141 = arith.mulf %get3A_140, %get3A_125 : vector<16xf32>
        %add3A_142 = arith.addf %add3A_137, %mul3A_141 : vector<16xf32>
        %get3A_143 = arith.index_cast %scan3A_116 : i32 to index
        %get3A_144 = arith.constant 48 : index
        %get3A_145 = tpu.vector_load %arg12[%get3A_143, %get3A_144] {strides = array<i32>} : memref<336x128xf32, #tpu.memory_space<vmem>>, vector<16xf32>,
        %mul3A_146 = arith.mulf %get3A_145, %get3A_128 : vector<16xf32>
        %add3A_147 = arith.addf %add3A_142, %mul3A_146 : vector<16xf32>
        %gather3A = vector.shape_cast %broadcast_in_dim3A : vector<16x1xi32> to vector<16xi32>
        %gather3A_148 = tpu.dynamic_gather %add3A_147[%gather3A] in [0] : vector<16xf32>, vector<16xi32> -> vector<16xf32>
        %add3A_149 = arith.addf %add3A_147, %gather3A_148 : vector<16xf32>
        %gather3A_150 = vector.shape_cast %broadcast_in_dim3A_18 : vector<16x1xi32> to vector<16xi32>
        %gather3A_151 = tpu.dynamic_gather %add3A_149[%gather3A_150] in [0] : vector<16xf32>, vector<16xi32> -> vector<16xf32>
        %add3A_152 = arith.addf %add3A_149, %gather3A_151 : vector<16xf32>
        %gather3A_153 = vector.shape_cast %broadcast_in_dim3A_25 : vector<16x1xi32> to vector<16xi32>
        %gather3A_154 = tpu.dynamic_gather %add3A_152[%gather3A_153] in [0] : vector<16xf32>, vector<16xi32> -> vector<16xf32>
        %add3A_155 = arith.addf %add3A_152, %gather3A_154 : vector<16xf32>
        %gather3A_156 = vector.shape_cast %broadcast_in_dim3A_32 : vector<16x1xi32> to vector<16xi32>
        %gather3A_157 = tpu.dynamic_gather %add3A_155[%gather3A_156] in [0] : vector<16xf32>, vector<16xi32> -> vector<16xf32>
        %add3A_158 = arith.addf %add3A_155, %gather3A_157 : vector<16xf32>
        %broadcast_in_dim3A_159 = arith.constant 320 : i32
        %broadcast_in_dim3A_160 = vector.broadcast %broadcast_in_dim3A_159 : i32 to vector<16xi32>
        %add3A_161 = arith.addi %mul3A_107, %scan3A_116 : i32
        %add3A_162 = vector.broadcast %add3A_161 : i32 to vector<16xi32>
        %add3A_163 = arith.addi %broadcast_in_dim3A_160, %add3A_162 : vector<16xi32>
        tpu.vector_store_idx %arg13[%add3A_163], %add3A_158 masked %eq3A_6 : memref<10752xf32, #tpu.memory_space<vmem>>[vector<16xi32>], vector<16xf32>, vector<16xi1>
        %scan3A_164 = arith.constant 0 : i32
        %scan3A_165 = arith.constant 0 : i32
        %scan3A_166 = arith.constant 10 : i32
        %scan3A_167 = arith.addi %scan3A_165, %scan3A_166 : i32
        %scan3A_168 = arith.constant 1 : i32
        %scan3A_169 = scf.for %scan3A_172 = %scan3A_165 to %scan3A_167 step %scan3A_168 iter_args(%scan3A_173 = %scan3A_164) -> (i32)  : i32 {
          %mul3A_174 = arith.constant 20 : i32
          %mul3A_175 = arith.muli %scan3A_116, %mul3A_174 : i32
          %add3A_176 = arith.constant 16 : i32
          %add3A_177 = arith.addi %add3A_176, %mul3A_175 : i32
          %mul3A_178 = arith.constant 2 : i32
          %mul3A_179 = arith.muli %mul3A_178, %scan3A_172 : i32
          %add3A_180 = arith.addi %add3A_177, %mul3A_179 : i32
          %add3A_181 = arith.constant 0 : i32
          %add3A_182 = arith.addi %add3A_180, %add3A_181 : i32
          %get3A_183 = arith.index_cast %add3A_182 : i32 to index
          %get3A_184 = arith.constant 0 : index
          %get3A_185 = tpu.vector_load %arg12[%get3A_183, %get3A_184] {strides = array<i32>} : memref<336x128xf32, #tpu.memory_space<vmem>>, vector<16xf32>,
          %mul3A_186 = arith.mulf %get3A_185, %get3A_119 : vector<16xf32>
          %get3A_187 = arith.index_cast %add3A_182 : i32 to index
          %get3A_188 = arith.constant 16 : index
          %get3A_189 = tpu.vector_load %arg12[%get3A_187, %get3A_188] {strides = array<i32>} : memref<336x128xf32, #tpu.memory_space<vmem>>, vector<16xf32>,
          %mul3A_190 = arith.mulf %get3A_189, %get3A_122 : vector<16xf32>
          %add3A_191 = arith.addf %mul3A_186, %mul3A_190 : vector<16xf32>
          %get3A_192 = arith.index_cast %add3A_182 : i32 to index
          %get3A_193 = arith.constant 32 : index
          %get3A_194 = tpu.vector_load %arg12[%get3A_192, %get3A_193] {strides = array<i32>} : memref<336x128xf32, #tpu.memory_space<vmem>>, vector<16xf32>,
          %mul3A_195 = arith.mulf %get3A_194, %get3A_125 : vector<16xf32>
          %add3A_196 = arith.addf %add3A_191, %mul3A_195 : vector<16xf32>
          %get3A_197 = arith.index_cast %add3A_182 : i32 to index
          %get3A_198 = arith.constant 48 : index
          %get3A_199 = tpu.vector_load %arg12[%get3A_197, %get3A_198] {strides = array<i32>} : memref<336x128xf32, #tpu.memory_space<vmem>>, vector<16xf32>,
          %mul3A_200 = arith.mulf %get3A_199, %get3A_128 : vector<16xf32>
          %add3A_201 = arith.addf %add3A_196, %mul3A_200 : vector<16xf32>
          %gather3A_202 = vector.shape_cast %broadcast_in_dim3A : vector<16x1xi32> to vector<16xi32>
          %gather3A_203 = tpu.dynamic_gather %add3A_201[%gather3A_202] in [0] : vector<16xf32>, vector<16xi32> -> vector<16xf32>
          %add3A_204 = arith.addf %add3A_201, %gather3A_203 : vector<16xf32>
          %gather3A_205 = vector.shape_cast %broadcast_in_dim3A_18 : vector<16x1xi32> to vector<16xi32>
          %gather3A_206 = tpu.dynamic_gather %add3A_204[%gather3A_205] in [0] : vector<16xf32>, vector<16xi32> -> vector<16xf32>
          %add3A_207 = arith.addf %add3A_204, %gather3A_206 : vector<16xf32>
          %gather3A_208 = vector.shape_cast %broadcast_in_dim3A_25 : vector<16x1xi32> to vector<16xi32>
          %gather3A_209 = tpu.dynamic_gather %add3A_207[%gather3A_208] in [0] : vector<16xf32>, vector<16xi32> -> vector<16xf32>
          %add3A_210 = arith.addf %add3A_207, %gather3A_209 : vector<16xf32>
          %gather3A_211 = vector.shape_cast %broadcast_in_dim3A_32 : vector<16x1xi32> to vector<16xi32>
          %gather3A_212 = tpu.dynamic_gather %add3A_210[%gather3A_211] in [0] : vector<16xf32>, vector<16xi32> -> vector<16xf32>
          %add3A_213 = arith.addf %add3A_210, %gather3A_212 : vector<16xf32>
          %mul3A_214 = arith.constant 2 : i32
          %mul3A_215 = arith.muli %mul3A_214, %scan3A_172 : i32
          %add3A_216 = arith.constant 0 : i32
          %add3A_217 = arith.addi %mul3A_215, %add3A_216 : i32
          %mul3A_218 = arith.constant 16 : i32
          %mul3A_219 = arith.muli %add3A_217, %mul3A_218 : i32
          %broadcast_in_dim3A_220 = arith.constant 0 : i32
          %broadcast_in_dim3A_221 = vector.broadcast %broadcast_in_dim3A_220 : i32 to vector<16xi32>
          %add3A_222 = vector.broadcast %mul3A_219 : i32 to vector<16xi32>
          %add3A_223 = arith.addi %add3A_222, %broadcast_in_dim3A_221 : vector<16xi32>
          %add3A_224 = arith.addi %mul3A_107, %scan3A_116 : i32
          %add3A_225 = vector.broadcast %add3A_224 : i32 to vector<16xi32>
          %add3A_226 = arith.addi %add3A_223, %add3A_225 : vector<16xi32>
          %neg3A = arith.constant 0.000000e+00 : f32
          %neg3A_227 = vector.broadcast %neg3A : f32 to vector<16xf32>
          %neg3A_228 = arith.subf %neg3A_227, %add3A_213 : vector<16xf32>
          tpu.vector_store_idx %arg13[%add3A_226], %neg3A_228 masked %eq3A_6 : memref<10752xf32, #tpu.memory_space<vmem>>[vector<16xi32>], vector<16xf32>, vector<16xi1>
          %mul3A_229 = arith.constant 20 : i32
          %mul3A_230 = arith.muli %scan3A_116, %mul3A_229 : i32
          %add3A_231 = arith.constant 16 : i32
          %add3A_232 = arith.addi %add3A_231, %mul3A_230 : i32
          %mul3A_233 = arith.constant 2 : i32
          %mul3A_234 = arith.muli %mul3A_233, %scan3A_172 : i32
          %add3A_235 = arith.addi %add3A_232, %mul3A_234 : i32
          %add3A_236 = arith.constant 1 : i32
          %add3A_237 = arith.addi %add3A_235, %add3A_236 : i32
          %get3A_238 = arith.index_cast %add3A_237 : i32 to index
          %get3A_239 = arith.constant 0 : index
          %get3A_240 = tpu.vector_load %arg12[%get3A_238, %get3A_239] {strides = array<i32>} : memref<336x128xf32, #tpu.memory_space<vmem>>, vector<16xf32>,
          %mul3A_241 = arith.mulf %get3A_240, %get3A_119 : vector<16xf32>
          %get3A_242 = arith.index_cast %add3A_237 : i32 to index
          %get3A_243 = arith.constant 16 : index
          %get3A_244 = tpu.vector_load %arg12[%get3A_242, %get3A_243] {strides = array<i32>} : memref<336x128xf32, #tpu.memory_space<vmem>>, vector<16xf32>,
          %mul3A_245 = arith.mulf %get3A_244, %get3A_122 : vector<16xf32>
          %add3A_246 = arith.addf %mul3A_241, %mul3A_245 : vector<16xf32>
          %get3A_247 = arith.index_cast %add3A_237 : i32 to index
          %get3A_248 = arith.constant 32 : index
          %get3A_249 = tpu.vector_load %arg12[%get3A_247, %get3A_248] {strides = array<i32>} : memref<336x128xf32, #tpu.memory_space<vmem>>, vector<16xf32>,
          %mul3A_250 = arith.mulf %get3A_249, %get3A_125 : vector<16xf32>
          %add3A_251 = arith.addf %add3A_246, %mul3A_250 : vector<16xf32>
          %get3A_252 = arith.index_cast %add3A_237 : i32 to index
          %get3A_253 = arith.constant 48 : index
          %get3A_254 = tpu.vector_load %arg12[%get3A_252, %get3A_253] {strides = array<i32>} : memref<336x128xf32, #tpu.memory_space<vmem>>, vector<16xf32>,
          %mul3A_255 = arith.mulf %get3A_254, %get3A_128 : vector<16xf32>
          %add3A_256 = arith.addf %add3A_251, %mul3A_255 : vector<16xf32>
          %gather3A_257 = vector.shape_cast %broadcast_in_dim3A : vector<16x1xi32> to vector<16xi32>
          %gather3A_258 = tpu.dynamic_gather %add3A_256[%gather3A_257] in [0] : vector<16xf32>, vector<16xi32> -> vector<16xf32>
          %add3A_259 = arith.addf %add3A_256, %gather3A_258 : vector<16xf32>
          %gather3A_260 = vector.shape_cast %broadcast_in_dim3A_18 : vector<16x1xi32> to vector<16xi32>
          %gather3A_261 = tpu.dynamic_gather %add3A_259[%gather3A_260] in [0] : vector<16xf32>, vector<16xi32> -> vector<16xf32>
          %add3A_262 = arith.addf %add3A_259, %gather3A_261 : vector<16xf32>
          %gather3A_263 = vector.shape_cast %broadcast_in_dim3A_25 : vector<16x1xi32> to vector<16xi32>
          %gather3A_264 = tpu.dynamic_gather %add3A_262[%gather3A_263] in [0] : vector<16xf32>, vector<16xi32> -> vector<16xf32>
          %add3A_265 = arith.addf %add3A_262, %gather3A_264 : vector<16xf32>
          %gather3A_266 = vector.shape_cast %broadcast_in_dim3A_32 : vector<16x1xi32> to vector<16xi32>
          %gather3A_267 = tpu.dynamic_gather %add3A_265[%gather3A_266] in [0] : vector<16xf32>, vector<16xi32> -> vector<16xf32>
          %add3A_268 = arith.addf %add3A_265, %gather3A_267 : vector<16xf32>
          %mul3A_269 = arith.constant 2 : i32
          %mul3A_270 = arith.muli %mul3A_269, %scan3A_172 : i32
          %add3A_271 = arith.constant 1 : i32
          %add3A_272 = arith.addi %mul3A_270, %add3A_271 : i32
          %mul3A_273 = arith.constant 16 : i32
          %mul3A_274 = arith.muli %add3A_272, %mul3A_273 : i32
          %broadcast_in_dim3A_275 = arith.constant 0 : i32
          %broadcast_in_dim3A_276 = vector.broadcast %broadcast_in_dim3A_275 : i32 to vector<16xi32>
          %add3A_277 = vector.broadcast %mul3A_274 : i32 to vector<16xi32>
          %add3A_278 = arith.addi %add3A_277, %broadcast_in_dim3A_276 : vector<16xi32>
          %add3A_279 = arith.addi %mul3A_107, %scan3A_116 : i32
          %add3A_280 = vector.broadcast %add3A_279 : i32 to vector<16xi32>
          %add3A_281 = arith.addi %add3A_278, %add3A_280 : vector<16xi32>
          %neg3A_282 = arith.constant 0.000000e+00 : f32
          %neg3A_283 = vector.broadcast %neg3A_282 : f32 to vector<16xf32>
          %neg3A_284 = arith.subf %neg3A_283, %add3A_268 : vector<16xf32>
          tpu.vector_store_idx %arg13[%add3A_281], %neg3A_284 masked %eq3A_6 : memref<10752xf32, #tpu.memory_space<vmem>>[vector<16xi32>], vector<16xf32>, vector<16xi1>
          %scan3A_285 = arith.constant 0 : i32
          scf.yield %scan3A_285 : i32
        }
        %scan3A_170 = arith.constant 10 : i32
        %scan3A_171 = arith.constant 0 : i32
        scf.yield %scan3A_171 : i32
      }
      %scan3A_114 = arith.constant 16 : i32
      %scan3A_115 = arith.constant 0 : i32
      scf.yield %scan3A_115 : i32
    }
    %scan3A_47 = arith.constant 16 : i32
    %mul3A_48 = arith.constant 10752 : i32
    %mul3A_49 = arith.muli %add3A, %mul3A_48 : i32
    "tpu.region"() ({
      %run_scoped3A = tpu.sem_alloc : memref<!tpu.dma_semaphore, #tpu.memory_space<semaphore_mem>>
      %dma_start3A_50 = tpu.memref_slice %arg6[%mul3A_49] : memref<344064xf32, #tpu.memory_space<hbm>> -> memref<10752xf32, #tpu.memory_space<hbm>>
      %dma_start3A_51 = tpu.memref_slice %arg6[%mul3A_49] : memref<344064xf32, #tpu.memory_space<hbm>> -> memref<10752xf32, #tpu.memory_space<hbm>>
      tpu.enqueue_dma source(%arg13 : memref<10752xf32, #tpu.memory_space<vmem>>) target(%dma_start3A_51 : memref<10752xf32, #tpu.memory_space<hbm>>) target_semaphore(%run_scoped3A : memref<!tpu.dma_semaphore, #tpu.memory_space<semaphore_mem>>)
      %dma_wait3A = tpu.memref_slice %arg6[%mul3A_49] : memref<344064xf32, #tpu.memory_space<hbm>> -> memref<10752xf32, #tpu.memory_space<hbm>>
      %dma_wait3A_52 = tpu.memref_slice %arg6[%mul3A_49] : memref<344064xf32, #tpu.memory_space<hbm>> -> memref<10752xf32, #tpu.memory_space<hbm>>
      tpu.wait_dma2 semaphore(%run_scoped3A : memref<!tpu.dma_semaphore, #tpu.memory_space<semaphore_mem>>) src(%arg13 : memref<10752xf32, #tpu.memory_space<vmem>>) dst(%dma_wait3A_52 : memref<10752xf32, #tpu.memory_space<hbm>>)
      tpu.yield
    }) : () -> ()
    return
  }
}

module attributes {stable_mosaic.version = 14 : i64} {
  func.func @_tc_conv_body(%arg0: i32, %arg1: memref<64x16384xf32, #tpu.memory_space<vmem>>, %arg2: memref<16384x128xf32, #tpu.memory_space<vmem>>) attributes {dimension_semantics = [#tpu.dimension_semantics<arbitrary>], iteration_bounds = array<i64: 62>, scalar_prefetch = 0 : i64, scratch_operands = 0 : i64, tpu.core_type = #tpu.core_type<tc>, window_params = [{transform_indices = @transform_0, window_bounds = array<i64: 64, 16384>}, {transform_indices = @transform_1, window_bounds = array<i64: 16384, 128>}]} {
    %get3A = arith.constant 0 : index
    %get3A_0 = arith.constant 0 : index
    %get3A_1 = vector.load %arg1[%get3A, %get3A_0] : memref<64x16384xf32, #tpu.memory_space<vmem>>, vector<64x16384xf32>
    %iota3A = tpu.iota {dimensions = array<i32: 0>} : vector<64x128xi32>
    %iota3A_2 = tpu.iota {dimensions = array<i32: 1>} : vector<64x128xi32>
    %jit3A = arith.constant 64 : i32
    %eq3A = arith.constant 0 : i32
    %eq3A_3 = arith.cmpi eq, %jit3A, %eq3A : i32
    %jit3A_4 = arith.constant 1 : i32
    %select_n3A = arith.select %eq3A_3, %jit3A_4, %jit3A : i32
    %rem3A = vector.broadcast %select_n3A : i32 to vector<64x128xi32>
    %rem3A_5 = arith.remsi %iota3A_2, %rem3A : vector<64x128xi32>
    %ne3A = arith.constant 0 : i32
    %ne3A_6 = vector.broadcast %ne3A : i32 to vector<64x128xi32>
    %ne3A_7 = arith.cmpi ne, %rem3A_5, %ne3A_6 : vector<64x128xi32>
    %lt3A = arith.constant 0 : i32
    %lt3A_8 = vector.broadcast %lt3A : i32 to vector<64x128xi32>
    %lt3A_9 = arith.cmpi slt, %rem3A_5, %lt3A_8 : vector<64x128xi32>
    %lt3A_10 = arith.constant 0 : i32
    %lt3A_11 = arith.cmpi slt, %select_n3A, %lt3A_10 : i32
    %ne3A_12 = vector.broadcast %lt3A_11 : i1 to vector<64x128xi1>
    %ne3A_13 = vector.broadcast %ne3A_12 : vector<64x128xi1> to vector<64x128xi1>
    %ne3A_14 = arith.xori %lt3A_9, %ne3A_13 : vector<64x128xi1>
    %and3A = arith.andi %ne3A_14, %ne3A_7 : vector<64x128xi1>
    %add3A = vector.broadcast %select_n3A : i32 to vector<64x128xi32>
    %add3A_15 = arith.addi %rem3A_5, %add3A : vector<64x128xi32>
    %select_n3A_16 = arith.select %and3A, %add3A_15, %rem3A_5 : vector<64x128xi1>, vector<64x128xi32>
    %eq3A_17 = arith.cmpi eq, %iota3A, %select_n3A_16 : vector<64x128xi32>
    %jit3A_18 = arith.constant 1.000000e+00 : f32
    %jit3A_19 = arith.constant 0.000000e+00 : f32
    %broadcast_in_dim3A = vector.broadcast %jit3A_18 : f32 to vector<64x128xf32>
    %broadcast_in_dim3A_20 = vector.broadcast %jit3A_19 : f32 to vector<64x128xf32>
    %select_n3A_21 = arith.select %eq3A_17, %broadcast_in_dim3A, %broadcast_in_dim3A_20 : vector<64x128xi1>, vector<64x128xf32>
    %dot_general3A = arith.constant dense<0.000000e+00> : vector<16384x128xf32>
    %dot_general3A_22 = tpu.matmul %get3A_1, %select_n3A_21, %dot_general3A {dimension_numbers = #tpu.dot_dimension_numbers<[0], [0], [1], [1], [0, 1, 1, 1], [], []>, transpose_lhs_hint = false} : vector<64x16384xf32>, vector<64x128xf32>, vector<16384x128xf32> -> vector<16384x128xf32>
    %swap3A = arith.constant 0 : index
    %swap3A_23 = arith.constant 0 : index
    %swap3A_24 = vector.load %arg2[%swap3A, %swap3A_23] : memref<16384x128xf32, #tpu.memory_space<vmem>>, vector<16384x128xf32>
    tpu.vector_store %arg2[%swap3A, %swap3A_23], %dot_general3A_22 {strides = array<i32>} : memref<16384x128xf32, #tpu.memory_space<vmem>>, vector<16384x128xf32>,
    return
  }
  func.func @transform_0(%arg0: i32) -> (i32, i32) {
    %c0_i32 = arith.constant 0 : i32
    %c0_i32_0 = arith.constant 0 : i32
    return %c0_i32, %arg0 : i32, i32
  }
  func.func @transform_1(%arg0: i32) -> (i32, i32) {
    %c0_i32 = arith.constant 0 : i32
    %c0_i32_0 = arith.constant 0 : i32
    return %arg0, %c0_i32 : i32, i32
  }
}

module attributes {stable_mosaic.version = 14 : i64} {
  func.func @_tc_loss_body(%arg0: memref<2688x128xf32, #tpu.memory_space<vmem>>, %arg1: memref<1x1xf32, #tpu.memory_space<vmem>>) attributes {dimension_semantics = [], scalar_prefetch = 0 : i64, scratch_operands = 0 : i64, tpu.core_type = #tpu.core_type<tc>} {
    %get3A = arith.constant 0 : index
    %get3A_0 = arith.constant 0 : index
    %get3A_1 = vector.load %arg0[%get3A, %get3A_0] : memref<2688x128xf32, #tpu.memory_space<vmem>>, vector<2688x128xf32>
    %min3A = arith.constant 0.000000e+00 : f32
    %min3A_2 = vector.broadcast %min3A : f32 to vector<2688x128xf32>
    %min3A_3 = arith.minimumf %get3A_1, %min3A_2 : vector<2688x128xf32>
    %abs3A = math.absf %get3A_1 : vector<2688x128xf32>
    %neg3A = arith.constant 0.000000e+00 : f32
    %neg3A_4 = vector.broadcast %neg3A : f32 to vector<2688x128xf32>
    %neg3A_5 = arith.subf %neg3A_4, %abs3A : vector<2688x128xf32>
    %exp3A = math.exp %neg3A_5 : vector<2688x128xf32>
    %log1p3A = math.log1p %exp3A : vector<2688x128xf32>
    %sub3A = arith.subf %min3A_3, %log1p3A : vector<2688x128xf32>
    %reduce_sum3A = vector.shape_cast %sub3A : vector<2688x128xf32> to vector<1x2688x128xf32>
    %reduce_sum3A_6 = arith.constant dense<0.000000e+00> : vector<1xf32>
    %reduce_sum3A_7 = vector.multi_reduction <add>, %reduce_sum3A, %reduce_sum3A_6 [1, 2] : vector<1x2688x128xf32> to vector<1xf32>
    %reduce_sum3A_8 = vector.shape_cast %reduce_sum3A_7 : vector<1xf32> to vector<1x1x1xf32>
    %reduce_sum3A_9 = vector.extract %reduce_sum3A_8[0, 0, 0] : f32 from vector<1x1x1xf32>
    %neg3A_10 = arith.constant 0.000000e+00 : f32
    %neg3A_11 = arith.subf %neg3A_10, %reduce_sum3A_9 : f32
    %reshape3A = vector.broadcast %neg3A_11 : f32 to vector<1x1xf32>
    %swap3A = arith.constant 0 : index
    %swap3A_12 = arith.constant 0 : index
    %swap3A_13 = vector.load %arg1[%swap3A, %swap3A_12] : memref<1x1xf32, #tpu.memory_space<vmem>>, vector<1x1xf32>
    tpu.vector_store %arg1[%swap3A, %swap3A_12], %reshape3A {strides = array<i32>} : memref<1x1xf32, #tpu.memory_space<vmem>>, vector<1x1xf32>,
    return
  }
}

</mosaic_0001>

<sc_bundles>
// kernel: kernel.6.cloned.1.call-start
scs
__scs_entry_jumppad:
0x0: {  	(pc) =	sbr.rel $0x88, $3  }
0x1: {  	(tag) =	ssettag $0x0;
	lr =	simm.s32 $0x1  }
0x2: {  	[smem:$0x3F9C] =	sst lr;
	_ =	strace $0xD0000000  }
0x3: {  	_ = 	snop  }
0x4: {  	_ = 	snop  }
0x5: {  	_ = 	snop  }
0x6: {  	_ = 	snop  }
0x7: {  	_ = 	snop  }
__scs_overlays_trampoline_lowered:
0x8: {  	[smem:$0x3FAB] =	sst s0  }
0x9: {  	[smem:$0x3FAC] =	sst s1  }
0xa: {  	[smem:$0x3FAD] =	sst s2  }
0xb: {  	[smem:$0x3FAE] =	sst s3  }
0xc: {  	[smem:$0x3FAF] =	sst s4  }
0xd: {  	[smem:$0x3FB0] =	sst s5  }
0xe: {  	[smem:$0x3FB1] =	sst s6  }
0xf: {  	[smem:$0x3FB2] =	sst s7  }
0x10: {  	[smem:$0x3FB3] =	sst s8  }
0x11: {  	[smem:$0x3FB4] =	sst s9;
	s0 =	simm.s32 @!p0 $0x0  }
0x12: {  	s1 =	sld [smem:$0x3F9A];
	s0 =	simm.s32 @p0 $0x1  }
0x13: {  	[smem:$0x3FB5] =	sst s0;
	s0 =	simm.s32 @!p1 $0x0  }
0x14: {  	s2 =	sld [smem:$0x3F99];
	s0 =	simm.s32 @p1 $0x1  }
0x15: {  	[smem:$0x3FB6] =	sst s0;
	s0 =	simm.s32 @!p2 $0x0  }
0x16: {  	s3 =	sld [smem:$0x3FDB];
	s0 =	simm.s32 @p2 $0x1  }
0x17: {  	s4 =	simm.s32 $0x1BF5;
	[smem:$0x3FB8] =	sst s0  }
0x18: {  	s0 =	sld [smem:$0x3F9B];
	_ =	swait.ge [sflag:s4], $0x0  }
0x19: {  	s7 =	sld [smem:$0x3F9C]  }
0x1a: {  	s8 =	sadd.s32 $0xFFFFE003, lr  }
0x1b: {  	s9 =	sadd.s32 $0xFFFFFEF7, lr;
	s5 =	simm.s32 $0xFFFFFFFF;
	p2 =	slt.u32 s8, $0xFFFFF086  }
0x1c: {  	p1 =	slt.u32 s9, $0xF7A;
	s5 =	simm.s32 @!p2 $0x0  }
0x1d: {  	s5 =	simm.s32 @p1 $0x1;
	p0 =	seq.s32 s7, s2  }
0x1e: {  	s7 =	smul.u32 @!p0 $0xF7A, s2;
	p2 =	seq.s32 @!p0 s5, $0x0  }
0x1f: {  	s9 =	smul.u32 $0xF7A, s1;
	s8 =	simm.s32 @!p0 $0x1BF5;
	p2 =	por !p2, p0  }
0x20: {  	[sflag:s8] =	ssyncset.s32 @!p0 $0xFFFFF086;
	s6 =	sadd.s32 @!p0 s3, s7;
	s7 =	simm.s32 @!p0 $0x108  }
0x21: {  	s3 =	sadd.s32 s3, s9;
	s6 =	sadd.s32 @!p0 $0x88, s6;
	s7 =	simm.s32 @p2 $0x1082  }
0x22: {  	[simem:s7], [sflag:s8] =	dma.local @!p0 [hbm:s6], $0xF7A  }
0x23: {  	s9 =	sor.u32 $0xD0000000, s2;
	s6 =	simm.s32 $0x108;
	_ =	swait.ge @!p0 [sflag:s8], $0x0  }
0x24: {  	s3 =	sadd.s32 $0x88, s3;
	s6 =	simm.s32 @!p1 $0x1082;
	[sflag:s4] =	ssyncset.s32 $0xFFFFF086  }
0x25: {  	[simem:s6], [sflag:s4] =	dma.local [hbm:s3], $0xF7A  }
0x26: {  	[smem:$0x3F9C] =	sst s1;
	(tag) =	ssettag s2;
	_ =	strace s9  }
0x27: {  	s1 =	sld [smem:$0x3FAC]  }
0x28: {  	s2 =	sld [smem:$0x3FAD]  }
0x29: {  	s4 =	sld [smem:$0x3FAF]  }
0x2a: {  	p0 =	seq.s32 s5, $0x0;
	s5 =	sld [smem:$0x3FB0]  }
0x2b: {  	s6 =	sld [smem:$0x3FB1]  }
0x2c: {  	s7 =	sld [smem:$0x3FB2]  }
0x2d: {  	s3 =	simm.s32 $0x108;
	s8 =	sld [smem:$0x3FB3]  }
0x2e: {  	s3 =	simm.s32 @!p0 $0x1082;
	s9 =	sld [smem:$0x3FB4]  }
0x2f: {  	lr =	sadd.s32 s0, s3;
	s0 =	sld [smem:$0x3FAB]  }
0x30: {  	s3 =	sld [smem:$0x3FAE]  }
0x31: {  	[smem:$0x3FB7] =	sst s10  }
0x32: {  	s10 =	sld [smem:$0x3FB5];
	_ =	sdelay $0x3  }
0x33: {  	p0 =	seq.s32 s10, $0x1;
	s10 =	sld [smem:$0x3FB7];
	_ =	sdelay $0x3  }
0x34: {  	[smem:$0x3FB7] =	sst s10  }
0x35: {  	s10 =	sld [smem:$0x3FB6];
	_ =	sdelay $0x3  }
0x36: {  	p1 =	seq.s32 s10, $0x1;
	s10 =	sld [smem:$0x3FB7];
	_ =	sdelay $0x3  }
0x37: {  	[smem:$0x3FB7] =	sst s10  }
0x38: {  	s10 =	sld [smem:$0x3FB8]  }
0x39: {  	_ = 	snop;
	(pc) =	sbr.ind lr, $3  }
0x3a: {  	_ = 	snop  }
0x3b: {  	_ = 	snop  }
0x3c: {  	p2 =	seq.s32 s10, $0x1;
	s10 =	sld [smem:$0x3FB7]  }
0x3d: {  	_ =	shalt  }
0x3e: {  	_ =	shalt  }
0x3f: {  	_ =	shalt  }
0x40: {  	_ =	shalt  }
0x41: {  	_ =	shalt  }
0x42: {  	_ =	shalt  }
0x43: {  	_ =	shalt  }
0x44: {  	_ =	shalt  }
0x45: {  	_ =	shalt  }
0x46: {  	_ =	shalt  }
0x47: {  	_ =	shalt  }
0x48: {  	_ =	shalt  }
0x49: {  	_ =	shalt  }
0x4a: {  	_ =	shalt  }
0x4b: {  	_ =	shalt  }
0x4c: {  	_ =	shalt  }
0x4d: {  	_ =	shalt  }
0x4e: {  	_ =	shalt  }
0x4f: {  	_ =	shalt  }
0x50: {  	_ =	shalt  }
0x51: {  	_ =	shalt  }
0x52: {  	_ =	shalt  }
0x53: {  	_ =	shalt  }
0x54: {  	_ =	shalt  }
0x55: {  	_ =	shalt  }
0x56: {  	_ =	shalt  }
0x57: {  	_ =	shalt  }
0x58: {  	_ =	shalt  }
0x59: {  	_ =	shalt  }
0x5a: {  	_ =	shalt  }
0x5b: {  	_ =	shalt  }
0x5c: {  	_ =	shalt  }
0x5d: {  	_ =	shalt  }
0x5e: {  	_ =	shalt  }
0x5f: {  	_ =	shalt  }
0x60: {  	_ =	shalt  }
0x61: {  	_ =	shalt  }
0x62: {  	_ =	shalt  }
0x63: {  	_ =	shalt  }
0x64: {  	_ =	shalt  }
0x65: {  	_ =	shalt  }
0x66: {  	_ =	shalt  }
0x67: {  	_ =	shalt  }
0x68: {  	_ =	shalt  }
0x69: {  	_ =	shalt  }
0x6a: {  	_ =	shalt  }
0x6b: {  	_ =	shalt  }
0x6c: {  	_ =	shalt  }
0x6d: {  	_ =	shalt  }
0x6e: {  	_ =	shalt  }
0x6f: {  	_ =	shalt  }
0x70: {  	_ =	shalt  }
0x71: {  	_ =	shalt  }
0x72: {  	_ =	shalt  }
0x73: {  	_ =	shalt  }
0x74: {  	_ =	shalt  }
0x75: {  	_ =	shalt  }
0x76: {  	_ =	shalt  }
0x77: {  	_ =	shalt  }
0x78: {  	_ =	shalt  }
0x79: {  	_ =	shalt  }
0x7a: {  	_ =	shalt  }
0x7b: {  	_ =	shalt  }
0x7c: {  	_ =	shalt  }
0x7d: {  	_ =	shalt  }
0x7e: {  	_ =	shalt  }
0x7f: {  	_ =	shalt  }
0x80: {  	_ =	shalt  }
0x81: {  	_ =	shalt  }
0x82: {  	_ =	shalt  }
0x83: {  	_ =	shalt  }
0x84: {  	_ =	shalt  }
0x85: {  	_ =	shalt  }
0x86: {  	_ =	shalt  }
0x87: {  	_ =	shalt  }
.Lfunc_end0:
.L_simem_size_0:
called_computation_lowered:
.L_overlay_start_0:
0x88: {  	s2 =	sld [smem:$0x3FD9]  }
0x89: {  	s3 =	sld [smem:$0x3FFE];
	_ =	sdelay $0x1  }
0x8a: {  	s1 =	srdreg.scid  }
0x8b: {  	s0 =	sand.u32 $0x1, s1  }
0x8c: {  	s17 =	sshll.u32 s0, $0xA;
	s2 =	sadd.s32 s3, s2  }
0x8d: {  	s2 =	sadd.s32 s2, s17  }
0x8e: {  	[smem:$0x3FC3] =	sst s2  }
0x8f: {  	_ = 	snop  }
0x90: {  	s2 =	sld [smem:$0x3FC9];
	(tm) =	ssettm $0x1  }
0x91: {  	s18 =	sld [smem:$0x3FFB];
	_ =	sdelay $0x3  }
0x92: {  	_ =	strace s18  }
0x93: {  	s3 =	sld [smem:$0x3FFC];
	_ =	sdelay $0x3  }
0x94: {  	_ =	strace s3  }
0x95: {  	s3 =	sld [smem:$0x3FFD];
	_ =	sdelay $0x3  }
0x96: {  	_ =	strace s3  }
0x97: {  	_ =	strace $0x8FFFFFFF  }
0x98: {  	s19 =	sld [smem:$0x3FDB];
	_ =	sdelay $0x1  }
0x99: {  	s4 =	simm.s32 $_scs_section_size  }
0x9a: {  	s5 =	simm.s32 $_size__tile_overlayer_lowered;
	s6 =	simm.s32 $_tile_overlayer_lowered  }
0x9b: {  	s22 =	simm.s32 $0x1BFF;
	s21 =	sshll.u32 s6, $0x1;
	s3 =	sadd.s32 s4, s19  }
0x9c: {  	s7 =	simm.s32 $0x0;
	s20 =	sshll.u32 s5, $0x1;
	s5 =	sadd.s32 s21, s3  }
0x9d: {  	[timem:s7], [sflag:s22] =	dma.local [hbm:s5], s20  }
0x9e: {  	_ =	swait.ge [sflag:s22], s20  }
0x9f: {  	s4 =	ssub.s32 $0x0, s20;
	[sflag:s22] =	ssyncset.done $0x0  }
0xa0: {  	[sflag:s22] =	ssyncadd.s32 s4;
	_ =	sdelay $0x1  }
0xa1: {  	s23 =	simm.s32 $0x1B8B  }
0xa2: {  	_ =	swait.ge [sflag:s23], $0x1  }
0xa3: {  	[sflag:s23] =	ssyncset.done $0x0  }
0xa4: {  	s25 =	simm.s32 $0x1B8E;
	s24 =	sld [smem:$0x3FFE];
	[sflag:s23] =	ssyncadd.s32 $0xFFFFFFFF  }
0xa5: {  	s26 =	simm.s32 $execute0_lowered;
	[smem:$0x3FD2] =	sst s25  }
0xa6: {  	s5 =	sshll.u32 s26, $0x1;
	_ =	strace $0x80000046;
	[dreg:$0x1] =	wrdreg $0xFFFFFFFF  }
0xa7: {  	s28 =	simm.s32 $_size_execute0_lowered;
	s3 =	sadd.s32 s3, s5;
	[dreg:$0x0] =	wrdreg $0x0  }
0xa8: {  	s5 =	sshll.u32 s28, $0x1;
	[dreg:$0x2] =	wrdreg s3  }
0xa9: {  	[dreg:$0x3] =	wrdreg s5  }
0xaa: {  	[dreg:$0x4] =	wrdreg $0xC0  }
0xab: {  	_ =	task [dreg:s7], $0x5FFFF  }
0xac: {  	[dreg:$0x1] =	wrdreg $0xFFFFFFFF  }
0xad: {  	[dreg:$0x0] =	wrdreg $0x60  }
0xae: {  	[dreg:$0x2] =	wrdreg s2  }
0xaf: {  	[dreg:$0x3] =	wrdreg s24  }
0xb0: {  	[dreg:$0x4] =	wrdreg $0x9  }
0xb1: {  	_ =	task.clear_ibuf [dreg:s7], $0x5FFFF;
	_ =	strace $0x90000046  }
0xb2: {  	s29 =	simm.s32 $0x9;
	_ =	strace $0x80000048  }
0xb3: {  	_ =	swait.ge [sflag:s29], $0x1  }
0xb4: {  	[sflag:s29] =	ssyncadd.s32 $0xFFFFFFFF  }
0xb5: {  	_ =	strace $0x90000048  }
0xb6: {  	_ =	sfence  }
0xb7: {  	s30 =	sld [smem:$0x0];
	_ =	sdelay $0x2  }
0xb8: {  	s31 =	sshll.u32 s1, $0xD;
	s1 =	sshrl.u32 s1, $0x2  }
0xb9: {  	s3 =	sand.u32 $0x4000, s31;
	s1 =	sadd.s32 s1, s30  }
0xba: {  	s0 =	sor.u32 s3, s0;
	s1 =	sshll.u32 s1, $0x11  }
0xbb: {  	s0 =	sor.u32 s1, s0  }
0xbc: {  	s0 =	sadd.s32 $0x8F2B, s0  }
0xbd: {  	[sflag:s0] =	ssyncadd.remote.s32 $0x1  }
0xbe: {  	_ =	sfence.sel $0xFFFF  }
0xbf: {  	[dreg:$0x0] =	wrdreg $0xFFFFFFFF;
	(pc) =	sbr.abs _section_cstart, $3  }
0xc0: {  	[dreg:$0x1] =	wrdreg $0xFFFFFFFF  }
0xc1: {  	_ =	task.clear_ibuf [dreg:s7], $0x2FFFF;
	_ =	strace $0x9FFFFFFF  }
0xc2: {  	(tm) =	ssettm $0x7FFFFFFF  }
0xc3: {  	_ =	shalt  }
tec
execute0_lowered:
.L_overlay_start_1:
0x0: {  	(tag) =	ssettag $0x1  }
0x1: {  	s5 =	rddreg [dreg:$0x0];
	v0 =	vimm.s32 $0xFEDCBA98;
	v1 =	vimm.s32 $0x76543210  }
0x2: {  	s6 =	rddreg [dreg:$0x1];
	s1 =	simm.s32 $0x0;
	s2 =	srdreg.scid;
	v3 =	vimm.s32 $0xBA987654;
	v4 =	vimm.s32 $0x10FEDCBA;
	v5 =	vimm.s32 $0x98765432  }
0x3: {  	s0 =	stileid.u32;
	v6 =	vimm.s32 $0xFEDCBA9;
	v7 =	vimm.s32 $0x87654321;
	s11 =	simm.s32 $0x10;
	s12 =	simm.s32 $0x2C00;
	v0 =	vunpack.c.l.s4.s8 v0  }
0x4: {  	s13 =	simm.s32 $0x150;
	s14 =	simm.s32 $0x3400;
	s15 =	simm.s32 $0xDC00;
	v1 =	vunpack.c.l.s4.s8 v1;
	v3 =	vunpack.c.l.s4.s8 v3;
	v6 =	vunpack.c.l.s4.s8 v6  }
0x5: {  	s16 =	simm.s32 $0xE400;
	s17 =	simm.s32 $0x1;
	s18 =	simm.s32 $0x18C00;
	v7 =	vunpack.c.l.s4.s8 v7;
	v2 =	vunpack.c.0.s8.s32 v0;
	v0 =	vimm.s32 $0x3210FEDC  }
0x6: {  	s19 =	simm.s32 $0x2;
	s4 =	sand.u32 $0x1, s2;
	s3 =	sshll.u32 s0, $0x1;
	v4 =	vunpack.c.l.s4.s8 v4;
	v5 =	vunpack.c.l.s4.s8 v5;
	v0 =	vunpack.c.l.s4.s8 v0  }
0x7: {  	s20 =	simm.s32 $0x0;
	[smem:$0x7FF] =	sst s1;
	s7 =	sor.u32 s4, s3;
	v3 =	vunpack.c.0.s8.s32 v3;
	v6 =	vunpack.c.0.s8.s32 v6;
	v7 =	vunpack.c.0.s8.s32 v7  }
0x8: {  	_ =	strace $0x80000047;
	s9 =	ssub.s32 $0x2, s4;
	s8 =	smul.u32 $0x540, s7;
	v4 =	vunpack.c.0.s8.s32 v4;
	v5 =	vunpack.c.0.s8.s32 v5;
	v0 =	vunpack.c.0.s8.s32 v0  }
0x9: {  	s3 =	sadd.s32 $0xAE00, s6;
	s4 =	sadd.s32 $0xF4D200, s6;
	s10 =	sshrl.u32 s9, $0x1;
	v8 =	vand.u32 $0xF, v2;
	v2 =	vcombine.low v7, v6  }
0xa: {  	s7 =	sshll.u32 s7, $0x6;
	s9 =	ssub.s32 s9, s10;
	s8 =	sadd.s32 s8, s6;
	v0 =	vcombine.low v3, v0;
	v3 =	vunpack.c.0.s8.s32 v1;
	v1 =	vcombine.low v5, v4  }
0xb: {  	s5 =	sadd.s32 s5, s7;
	s10 =	simm.s32 $0x200;
	s6 =	sadd.s32 $0x600, s8;
	v6 =	vand.u32 $0xF, v2  }
0xc: {  	s7 =	sadd.s32 $0x1E8F600, s8;
	s8 =	smax.u32 s9, $0x1;
	s9 =	simm.s32 $0x3;
	v3 =	vcombine.low v8, v3;
	v4 =	vand.u32 $0xF, v0;
	v5 =	vand.u32 $0xF, v1  }
.LBB2_1:
0xd: {  	[tilespmem:s1], [sflag:$0x3] =	stream.linear.gather [hbm4b:s5+s1], $0x200, $0x38;
	[tilespmem:$0x1B600] =	vst v63  }
0xe: {  	_ =	swait.ge [sflag:s9], $0x200  }
0xf: {  	[sflag:s9] =	ssyncset.done $0x0  }
0x10: {  	[sflag:s9] =	ssyncadd.s32 $0xFFFFFE00  }
0x11: {  	[tilespmem:s10], [sflag:$0x3] =	stream.linear.gather [hbm4b:s6+s1], $0x2A00, $0x38;
	[tilespmem:$0x1B600] =	vst v63  }
0x12: {  	_ =	swait.ge [sflag:s9], $0x2A00  }
0x13: {  	[sflag:s9] =	ssyncset.done $0x0  }
0x14: {  	[sflag:s9] =	ssyncadd.s32 $0xFFFFD600  }
0x15: {  	[tilespmem:s12], [sflag:$0x1] =	stream.indirect.gather [hbm4b:s3+s11], $0x80, s1, s11, $0xb8;
	[tilespmem:$0x1B600] =	vst v63  }
0x16: {  	s21 =	simm.s32 $0x0  }
0x17: {  	[tilespmem:s14], [sflag:$0x1] =	stream.indirect.gather [hbm4b:s4+s13], $0x80, s10, s13, $0xb8;
	[tilespmem:$0x1B600] =	vst v63  }
.LBB2_2:
0x18: {  	s22 =	sshllo.u32 s21, $0x1  }
0x19: {  	s23 =	sshll.u32 s22, $0x4  }
0x1a: {  	s22 =	smul.u32 $0x150, s22;
	s23 =	sand.u32 $0x3FFFFFF0, s23  }
0x1b: {  	[tilespmem:s15], [sflag:$0x2] =	stream.indirect.gather [hbm4b:s3+s11], $0x80, s23, s11, $0xb8;
	[tilespmem:$0x1B600] =	vst v63  }
0x1c: {  	s31 =	sadd.s32 $0x200, s22  }
0x1d: {  	[tilespmem:s16], [sflag:$0x2] =	stream.indirect.gather [hbm4b:s4+s13], $0x80, s31, s13, $0xb8;
	[tilespmem:$0x1B600] =	vst v63  }
0x1e: {  	_ =	swait.ge [sflag:s17], $0x800  }
0x1f: {  	[sflag:s17] =	ssyncset.done $0x0  }
0x20: {  	[sflag:s17] =	ssyncadd.s32 $0xFFFFF800  }
0x21: {  	_ =	swait.ge [sflag:s17], $0xA800  }
0x22: {  	s24 =	smul.u32 $0x2A0, s21;
	s25 =	simm.s32 $0x0;
	[sflag:s17] =	ssyncset.done $0x0  }
0x23: {  	s26 =	simm.s32 $0x3CB0;
	s23 =	sshll.u32 s21, $0x1;
	[sflag:s17] =	ssyncadd.s32 $0xFFFF5800  }
.LBB2_3:
0x24: {  	s28 =	sshll.u32 s25, $0x7  }
0x25: {  	v7 =	vld [tilespmem:s28+$0x2C00]  }
0x26: {  	v8 =	vld [tilespmem:s28+$0x2C10]  }
0x27: {  	v11 =	vld [tilespmem:s28+$0x3400]  }
0x28: {  	v12 =	vld [tilespmem:s28+$0x3410]  }
0x29: {  	v9 =	vld [tilespmem:s28+$0x2C20]  }
0x2a: {  	v13 =	vld [tilespmem:s28+$0x3420]  }
0x2b: {  	v10 =	vld [tilespmem:s28+$0x2C30]  }
0x2c: {  	v14 =	vld [tilespmem:s28+$0x3430]  }
0x2d: {  	v11 =	vmul.f32 v11, v7;
	v12 =	vmul.f32 v12, v8;
	_ =	sdelay $0x1  }
0x2e: {  	v11 =	vadd.f32 v12, v11;
	v12 =	vmul.f32 v13, v9;
	_ =	sdelay $0x1  }
0x2f: {  	v11 =	vadd.f32 v12, v11;
	v12 =	vmul.f32 v14, v10;
	_ =	sdelay $0x1  }
0x30: {  	v11 =	vadd.f32 v12, v11;
	_ =	sdelay $0x1  }
0x31: {  	v12 =	vperm.xlane v11, v3;
	_ =	sdelay $0x1  }
0x32: {  	v11 =	vadd.f32 v11, v12;
	_ =	sdelay $0x1  }
0x33: {  	v12 =	vperm.xlane v11, v0;
	_ =	sdelay $0x1  }
0x34: {  	v11 =	vadd.f32 v11, v12  }
0x35: {  	s28 =	sadd.s32 s24, s25  }
0x36: {  	v13 =	vmov s28;
	v12 =	vperm.xlane v11, v1  }
0x37: {  	v13 =	vadd.s32 $0x140, v13  }
0x38: {  	v11 =	vadd.f32 v11, v12;
	v12 =	vbroadcast v13, $0x0;
	_ =	sdelay $0x1  }
0x39: {  	v13 =	vperm.xlane v11, v2;
	_ =	sdelay $0x1  }
0x3a: {  	v11 =	vadd.f32 v11, v13;
	_ =	sdelay $0x1  }
0x3b: {  	[tilespmem:v12+s18+$0x0] =	vst.idx.msk $0x1, v11  }
0x3c: {  	v11 =	vld [tilespmem:s26+$0xFFFFFF50]  }
0x3d: {  	v12 =	vld [tilespmem:s26+$0xFFFFFF60];
	_ =	sdelay $0x1  }
0x3e: {  	v13 =	vld [tilespmem:s26+$0xFFFFFF70];
	_ =	sdelay $0x1  }
0x3f: {  	v14 =	vld [tilespmem:s26+$0xFFFFFF80]  }
0x40: {  	v11 =	vmul.f32 v11, v7;
	v12 =	vmul.f32 v12, v8;
	_ =	sdelay $0x1  }
0x41: {  	v11 =	vadd.f32 v12, v11;
	v12 =	vmul.f32 v13, v9;
	_ =	sdelay $0x1  }
0x42: {  	v11 =	vadd.f32 v12, v11;
	v12 =	vmul.f32 v14, v10;
	_ =	sdelay $0x1  }
0x43: {  	v11 =	vadd.f32 v12, v11;
	_ =	sdelay $0x1  }
0x44: {  	v12 =	vperm.xlane v11, v3;
	_ =	sdelay $0x1  }
0x45: {  	v11 =	vadd.f32 v11, v12;
	_ =	sdelay $0x1  }
0x46: {  	v12 =	vperm.xlane v11, v4;
	_ =	sdelay $0x1  }
0x47: {  	v11 =	vadd.f32 v11, v12;
	_ =	sdelay $0x1  }
0x48: {  	v12 =	vperm.xlane v11, v5;
	_ =	sdelay $0x1  }
0x49: {  	v11 =	vadd.f32 v11, v12  }
0x4a: {  	s30 =	sadd.s32 $0x10, s28  }
0x4b: {  	s29 =	sadd.s32 $0xFFFFFFF0, s30;
	v12 =	vperm.xlane v11, v6  }
0x4c: {  	v13 =	vmov s29  }
0x4d: {  	v11 =	vadd.f32 v11, v12;
	_ =	sdelay $0x1  }
0x4e: {  	v11 =	vsub.f32 $0.0e+00, v11;
	_ =	sdelay $0x1  }
0x4f: {  	[tilespmem:v13+s18+$0x0] =	vst.idx.msk $0x1, v11  }
0x50: {  	v11 =	vld [tilespmem:s26+$0xFFFFFFD0]  }
0x51: {  	v12 =	vld [tilespmem:s26+$0xFFFFFFE0];
	_ =	sdelay $0x1  }
0x52: {  	v13 =	vld [tilespmem:s26+$0xFFFFFFF0];
	_ =	sdelay $0x1  }
0x53: {  	v14 =	vld [tilespmem:s26+$0x0]  }
0x54: {  	v11 =	vmul.f32 v11, v7;
	v12 =	vmul.f32 v12, v8;
	_ =	sdelay $0x1  }
0x55: {  	v13 =	vmul.f32 v13, v9;
	v11 =	vadd.f32 v12, v11;
	_ =	sdelay $0x1  }
0x56: {  	v12 =	vmul.f32 v14, v10;
	v11 =	vadd.f32 v13, v11;
	_ =	sdelay $0x1  }
0x57: {  	v11 =	vadd.f32 v12, v11;
	_ =	sdelay $0x1  }
0x58: {  	v12 =	vperm.xlane v11, v3;
	_ =	sdelay $0x1  }
0x59: {  	v11 =	vadd.f32 v11, v12;
	_ =	sdelay $0x1  }
0x5a: {  	v12 =	vperm.xlane v11, v4;
	_ =	sdelay $0x1  }
0x5b: {  	v11 =	vadd.f32 v11, v12;
	_ =	sdelay $0x1  }
0x5c: {  	v12 =	vperm.xlane v11, v5;
	_ =	sdelay $0x1  }
0x5d: {  	v11 =	vadd.f32 v11, v12;
	_ =	sdelay $0x1  }
0x5e: {  	v12 =	vperm.xlane v11, v6;
	_ =	sdelay $0x1  }
0x5f: {  	v12 =	vadd.f32 v11, v12;
	v11 =	vmov s30;
	_ =	sdelay $0x1  }
0x60: {  	s29 =	simm.s32 $0x30;
	s30 =	smov.u32 s26;
	v12 =	vsub.f32 $0.0e+00, v12  }
.LBB2_4:
0x61: {  	p0 =	sne.s32 s29, $0x130  }
0x62: {  	s30 =	sadd.s32 $0x100, s30;
	s31 =	smov.u32 s29;
	s29 =	sadd.s32 $0x20, s29  }
0x63: {  	[tilespmem:v11+s18+$0x0] =	vst.idx.msk $0x1, v12  }
0x64: {  	v11 =	vld [tilespmem:s30+$0xFFFFFF50]  }
0x65: {  	v12 =	vld [tilespmem:s30+$0xFFFFFF60];
	_ =	sdelay $0x1  }
0x66: {  	v13 =	vld [tilespmem:s30+$0xFFFFFF70];
	_ =	sdelay $0x1  }
0x67: {  	v14 =	vld [tilespmem:s30+$0xFFFFFF80]  }
0x68: {  	v11 =	vmul.f32 v11, v7;
	v12 =	vmul.f32 v12, v8;
	_ =	sdelay $0x1  }
0x69: {  	v11 =	vadd.f32 v12, v11;
	v12 =	vmul.f32 v13, v9;
	_ =	sdelay $0x1  }
0x6a: {  	v11 =	vadd.f32 v12, v11;
	v12 =	vmul.f32 v14, v10;
	_ =	sdelay $0x1  }
0x6b: {  	v11 =	vadd.f32 v12, v11;
	_ =	sdelay $0x1  }
0x6c: {  	v12 =	vperm.xlane v11, v3;
	_ =	sdelay $0x1  }
0x6d: {  	v11 =	vadd.f32 v11, v12;
	_ =	sdelay $0x1  }
0x6e: {  	v12 =	vperm.xlane v11, v4;
	_ =	sdelay $0x1  }
0x6f: {  	v11 =	vadd.f32 v11, v12;
	_ =	sdelay $0x1  }
0x70: {  	v12 =	vperm.xlane v11, v5;
	_ =	sdelay $0x1  }
0x71: {  	v11 =	vadd.f32 v11, v12  }
0x72: {  	s31 =	sadd.s32 s28, s31  }
0x73: {  	s2 =	sadd.s32 $0xFFFFFFF0, s31;
	v12 =	vperm.xlane v11, v6  }
0x74: {  	v13 =	vmov s2  }
0x75: {  	v11 =	vadd.f32 v11, v12;
	_ =	sdelay $0x1  }
0x76: {  	v11 =	vsub.f32 $0.0e+00, v11;
	_ =	sdelay $0x1  }
0x77: {  	[tilespmem:v13+s18+$0x0] =	vst.idx.msk $0x1, v11  }
0x78: {  	v11 =	vld [tilespmem:s30+$0xFFFFFFD0]  }
0x79: {  	v12 =	vld [tilespmem:s30+$0xFFFFFFE0]  }
0x7a: {  	v13 =	vld [tilespmem:s30+$0xFFFFFFF0];
	_ =	sdelay $0x1  }
0x7b: {  	v14 =	vld [tilespmem:s30+$0x0]  }
0x7c: {  	v11 =	vmul.f32 v11, v7  }
0x7d: {  	v12 =	vmul.f32 v12, v8  }
0x7e: {  	v13 =	vmul.f32 v13, v9  }
0x7f: {  	v11 =	vadd.f32 v12, v11  }
0x80: {  	v12 =	vmul.f32 v14, v10  }
0x81: {  	v11 =	vadd.f32 v13, v11;
	_ =	sdelay $0x1  }
0x82: {  	v11 =	vadd.f32 v12, v11;
	_ =	sdelay $0x1  }
0x83: {  	v12 =	vperm.xlane v11, v3;
	_ =	sdelay $0x1  }
0x84: {  	v11 =	vadd.f32 v11, v12;
	_ =	sdelay $0x1  }
0x85: {  	v12 =	vperm.xlane v11, v4;
	_ =	sdelay $0x1  }
0x86: {  	v11 =	vadd.f32 v11, v12;
	_ =	sdelay $0x1  }
0x87: {  	v12 =	vperm.xlane v11, v5;
	_ =	sdelay $0x1  }
0x88: {  	v12 =	vadd.f32 v11, v12;
	_ =	sdelay $0x1  }
.Ltmp0:
0x89: {  	v11 =	vmov s31;
	v13 =	vperm.xlane v12, v6;
	(pc) =	sbr.rel @p0 .LBB2_4-.Ltmp0, $3  }
0x8a: {  	_ = 	snop  }
0x8b: {  	v12 =	vadd.f32 v12, v13;
	_ =	sdelay $0x1  }
0x8c: {  	v12 =	vsub.f32 $0.0e+00, v12  }
0x8d: {  	s25 =	sadd.s32 $0x1, s25  }
0x8e: {  	p0 =	sne.s32 s25, $0x10  }
.Ltmp1:
0x8f: {  	_ = 	snop;
	(pc) =	sbr.rel @p0 .LBB2_3-.Ltmp1, $2  }
0x90: {  	_ =	sdelay $0x2  }
0x91: {  	s26 =	sadd.s32 $0xA00, s26;
	[tilespmem:v11+s18+$0x0] =	vst.idx.msk $0x1, v12  }
0x92: {  	p0 =	seq.s32 s21, $0xF  }
0x93: {  	s2 =	sadd.s32 @!p0 $0x2, s23  }
0x94: {  	s24 =	simm.s32 @!p0 $0x10;
	s23 =	sshll.u32 @!p0 s2, $0x4  }
0x95: {  	s25 =	simm.s32 @!p0 $0x2C00;
	s2 =	smul.u32 @!p0 $0x540, s2;
	s23 =	sand.u32 @!p0 $0x3FFFFFF0, s23  }
0x96: {  	[tilespmem:s25], [sflag:$0x1] =	stream.indirect.gather @!p0 [hbm4b:s3+s24], $0x80, s23, s24, $0xb8;
	[tilespmem:$0x1B600] =	vst v63  }
0x97: {  	s2 =	sshra.s32 @!p0 s2, $0x2  }
0x98: {  	s23 =	simm.s32 @!p0 $0x150;
	s24 =	simm.s32 @!p0 $0x3400;
	s2 =	sadd.s32 @!p0 $0x200, s2  }
0x99: {  	[tilespmem:s24], [sflag:$0x1] =	stream.indirect.gather @!p0 [hbm4b:s4+s23], $0x80, s2, s23, $0xb8;
	[tilespmem:$0x1B600] =	vst v63  }
0x9a: {  	_ =	swait.ge [sflag:s19], $0x800  }
0x9b: {  	[sflag:s19] =	ssyncset.done $0x0  }
0x9c: {  	[sflag:s19] =	ssyncadd.s32 $0xFFFFF800  }
0x9d: {  	_ =	swait.ge [sflag:s19], $0xA800  }
0x9e: {  	[sflag:s19] =	ssyncset.done $0x0  }
0x9f: {  	s23 =	simm.s32 $0x0;
	s24 =	simm.s32 $0xECB0;
	[sflag:s19] =	ssyncadd.s32 $0xFFFF5800  }
.LBB2_7:
0xa0: {  	s2 =	sshll.u32 s23, $0x7  }
0xa1: {  	v7 =	vld [tilespmem:s2+$0xDC00]  }
0xa2: {  	v8 =	vld [tilespmem:s2+$0xDC10]  }
0xa3: {  	v11 =	vld [tilespmem:s2+$0xE400]  }
0xa4: {  	v12 =	vld [tilespmem:s2+$0xE410]  }
0xa5: {  	v9 =	vld [tilespmem:s2+$0xDC20]  }
0xa6: {  	v13 =	vld [tilespmem:s2+$0xE420]  }
0xa7: {  	v10 =	vld [tilespmem:s2+$0xDC30]  }
0xa8: {  	v14 =	vld [tilespmem:s2+$0xE430]  }
0xa9: {  	v11 =	vmul.f32 v11, v7;
	v12 =	vmul.f32 v12, v8;
	_ =	sdelay $0x1  }
0xaa: {  	v11 =	vadd.f32 v12, v11;
	v12 =	vmul.f32 v13, v9;
	_ =	sdelay $0x1  }
0xab: {  	v11 =	vadd.f32 v12, v11;
	v12 =	vmul.f32 v14, v10;
	_ =	sdelay $0x1  }
0xac: {  	v11 =	vadd.f32 v12, v11;
	_ =	sdelay $0x1  }
0xad: {  	v12 =	vperm.xlane v11, v3;
	_ =	sdelay $0x1  }
0xae: {  	v11 =	vadd.f32 v11, v12;
	_ =	sdelay $0x1  }
0xaf: {  	v12 =	vperm.xlane v11, v0;
	_ =	sdelay $0x1  }
0xb0: {  	v11 =	vadd.f32 v11, v12  }
0xb1: {  	s25 =	sor.u32 s22, s23  }
0xb2: {  	v13 =	vmov s25;
	v12 =	vperm.xlane v11, v1  }
0xb3: {  	v13 =	vadd.s32 $0x140, v13  }
0xb4: {  	v11 =	vadd.f32 v11, v12;
	v12 =	vbroadcast v13, $0x0;
	_ =	sdelay $0x1  }
0xb5: {  	v13 =	vperm.xlane v11, v2;
	_ =	sdelay $0x1  }
0xb6: {  	v11 =	vadd.f32 v11, v13;
	_ =	sdelay $0x1  }
0xb7: {  	[tilespmem:v12+s18+$0x0] =	vst.idx.msk $0x1, v11  }
0xb8: {  	v11 =	vld [tilespmem:s24+$0xFFFFFF50]  }
0xb9: {  	v12 =	vld [tilespmem:s24+$0xFFFFFF60];
	_ =	sdelay $0x1  }
0xba: {  	v13 =	vld [tilespmem:s24+$0xFFFFFF70];
	_ =	sdelay $0x1  }
0xbb: {  	v14 =	vld [tilespmem:s24+$0xFFFFFF80]  }
0xbc: {  	v11 =	vmul.f32 v11, v7;
	v12 =	vmul.f32 v12, v8;
	_ =	sdelay $0x1  }
0xbd: {  	v11 =	vadd.f32 v12, v11;
	v12 =	vmul.f32 v13, v9;
	_ =	sdelay $0x1  }
0xbe: {  	v11 =	vadd.f32 v12, v11;
	v12 =	vmul.f32 v14, v10;
	_ =	sdelay $0x1  }
0xbf: {  	v11 =	vadd.f32 v12, v11;
	_ =	sdelay $0x1  }
0xc0: {  	v12 =	vperm.xlane v11, v3;
	_ =	sdelay $0x1  }
0xc1: {  	v11 =	vadd.f32 v11, v12;
	_ =	sdelay $0x1  }
0xc2: {  	v12 =	vperm.xlane v11, v4;
	_ =	sdelay $0x1  }
0xc3: {  	v11 =	vadd.f32 v11, v12;
	_ =	sdelay $0x1  }
0xc4: {  	v12 =	vperm.xlane v11, v5;
	_ =	sdelay $0x1  }
0xc5: {  	v11 =	vadd.f32 v11, v12  }
0xc6: {  	s31 =	sadd.s32 $0x10, s25  }
0xc7: {  	s26 =	sadd.s32 $0xFFFFFFF0, s31;
	v12 =	vperm.xlane v11, v6  }
0xc8: {  	v13 =	vmov s26  }
0xc9: {  	v11 =	vadd.f32 v11, v12;
	_ =	sdelay $0x1  }
0xca: {  	v11 =	vsub.f32 $0.0e+00, v11;
	_ =	sdelay $0x1  }
0xcb: {  	[tilespmem:v13+s18+$0x0] =	vst.idx.msk $0x1, v11  }
0xcc: {  	v11 =	vld [tilespmem:s24+$0xFFFFFFD0]  }
0xcd: {  	v12 =	vld [tilespmem:s24+$0xFFFFFFE0];
	_ =	sdelay $0x1  }
0xce: {  	v13 =	vld [tilespmem:s24+$0xFFFFFFF0];
	_ =	sdelay $0x1  }
0xcf: {  	v14 =	vld [tilespmem:s24+$0x0]  }
0xd0: {  	v11 =	vmul.f32 v11, v7;
	v12 =	vmul.f32 v12, v8;
	_ =	sdelay $0x1  }
0xd1: {  	v13 =	vmul.f32 v13, v9;
	v11 =	vadd.f32 v12, v11;
	_ =	sdelay $0x1  }
0xd2: {  	v12 =	vmul.f32 v14, v10;
	v11 =	vadd.f32 v13, v11;
	_ =	sdelay $0x1  }
0xd3: {  	v11 =	vadd.f32 v12, v11;
	_ =	sdelay $0x1  }
0xd4: {  	v12 =	vperm.xlane v11, v3;
	_ =	sdelay $0x1  }
0xd5: {  	v11 =	vadd.f32 v11, v12;
	_ =	sdelay $0x1  }
0xd6: {  	v12 =	vperm.xlane v11, v4;
	_ =	sdelay $0x1  }
0xd7: {  	v11 =	vadd.f32 v11, v12;
	_ =	sdelay $0x1  }
0xd8: {  	v12 =	vperm.xlane v11, v5;
	_ =	sdelay $0x1  }
0xd9: {  	v11 =	vadd.f32 v11, v12;
	_ =	sdelay $0x1  }
0xda: {  	v12 =	vperm.xlane v11, v6;
	_ =	sdelay $0x1  }
0xdb: {  	v12 =	vadd.f32 v11, v12;
	v11 =	vmov s31;
	_ =	sdelay $0x1  }
0xdc: {  	s28 =	smov.u32 s24;
	s26 =	simm.s32 $0x30;
	v12 =	vsub.f32 $0.0e+00, v12  }
.LBB2_8:
0xdd: {  	p0 =	sne.s32 s26, $0x130  }
0xde: {  	s28 =	sadd.s32 $0x100, s28;
	s2 =	smov.u32 s26;
	s26 =	sadd.s32 $0x20, s26  }
0xdf: {  	[tilespmem:v11+s18+$0x0] =	vst.idx.msk $0x1, v12  }
0xe0: {  	v11 =	vld [tilespmem:s28+$0xFFFFFF50]  }
0xe1: {  	v12 =	vld [tilespmem:s28+$0xFFFFFF60];
	_ =	sdelay $0x1  }
0xe2: {  	v13 =	vld [tilespmem:s28+$0xFFFFFF70];
	_ =	sdelay $0x1  }
0xe3: {  	v14 =	vld [tilespmem:s28+$0xFFFFFF80]  }
0xe4: {  	v11 =	vmul.f32 v11, v7;
	v12 =	vmul.f32 v12, v8;
	_ =	sdelay $0x1  }
0xe5: {  	v11 =	vadd.f32 v12, v11;
	v12 =	vmul.f32 v13, v9;
	_ =	sdelay $0x1  }
0xe6: {  	v11 =	vadd.f32 v12, v11;
	v12 =	vmul.f32 v14, v10;
	_ =	sdelay $0x1  }
0xe7: {  	v11 =	vadd.f32 v12, v11;
	_ =	sdelay $0x1  }
0xe8: {  	v12 =	vperm.xlane v11, v3;
	_ =	sdelay $0x1  }
0xe9: {  	v11 =	vadd.f32 v11, v12;
	_ =	sdelay $0x1  }
0xea: {  	v12 =	vperm.xlane v11, v4;
	_ =	sdelay $0x1  }
0xeb: {  	v11 =	vadd.f32 v11, v12;
	_ =	sdelay $0x1  }
0xec: {  	v12 =	vperm.xlane v11, v5;
	_ =	sdelay $0x1  }
0xed: {  	v11 =	vadd.f32 v11, v12  }
0xee: {  	s2 =	sadd.s32 s25, s2  }
0xef: {  	s29 =	sadd.s32 $0xFFFFFFF0, s2;
	v12 =	vperm.xlane v11, v6  }
0xf0: {  	v13 =	vmov s29  }
0xf1: {  	v11 =	vadd.f32 v11, v12;
	_ =	sdelay $0x1  }
0xf2: {  	v11 =	vsub.f32 $0.0e+00, v11;
	_ =	sdelay $0x1  }
0xf3: {  	[tilespmem:v13+s18+$0x0] =	vst.idx.msk $0x1, v11  }
0xf4: {  	v11 =	vld [tilespmem:s28+$0xFFFFFFD0]  }
0xf5: {  	v12 =	vld [tilespmem:s28+$0xFFFFFFE0]  }
0xf6: {  	v13 =	vld [tilespmem:s28+$0xFFFFFFF0];
	_ =	sdelay $0x1  }
0xf7: {  	v14 =	vld [tilespmem:s28+$0x0]  }
0xf8: {  	v11 =	vmul.f32 v11, v7  }
0xf9: {  	v12 =	vmul.f32 v12, v8  }
0xfa: {  	v13 =	vmul.f32 v13, v9  }
0xfb: {  	v11 =	vadd.f32 v12, v11  }
0xfc: {  	v12 =	vmul.f32 v14, v10  }
0xfd: {  	v11 =	vadd.f32 v13, v11;
	_ =	sdelay $0x1  }
0xfe: {  	v11 =	vadd.f32 v12, v11;
	_ =	sdelay $0x1  }
0xff: {  	v12 =	vperm.xlane v11, v3;
	_ =	sdelay $0x1  }
0x100: {  	v11 =	vadd.f32 v11, v12;
	_ =	sdelay $0x1  }
0x101: {  	v12 =	vperm.xlane v11, v4;
	_ =	sdelay $0x1  }
0x102: {  	v11 =	vadd.f32 v11, v12;
	_ =	sdelay $0x1  }
0x103: {  	v12 =	vperm.xlane v11, v5;
	_ =	sdelay $0x1  }
0x104: {  	v12 =	vadd.f32 v11, v12;
	_ =	sdelay $0x1  }
.Ltmp2:
0x105: {  	v11 =	vmov s2;
	v13 =	vperm.xlane v12, v6;
	(pc) =	sbr.rel @p0 .LBB2_8-.Ltmp2, $3  }
0x106: {  	_ = 	snop  }
0x107: {  	v12 =	vadd.f32 v12, v13;
	_ =	sdelay $0x1  }
0x108: {  	v12 =	vsub.f32 $0.0e+00, v12  }
0x109: {  	s23 =	sadd.s32 $0x1, s23  }
0x10a: {  	p0 =	sne.s32 s23, $0x10  }
.Ltmp3:
0x10b: {  	_ = 	snop;
	(pc) =	sbr.rel @p0 .LBB2_7-.Ltmp3, $2  }
0x10c: {  	_ =	sdelay $0x2  }
0x10d: {  	s24 =	sadd.s32 $0xA00, s24;
	[tilespmem:v11+s18+$0x0] =	vst.idx.msk $0x1, v12  }
0x10e: {  	s21 =	sadd.s32 $0x1, s21  }
0x10f: {  	p0 =	sne.s32 s21, $0x10  }
.Ltmp4:
0x110: {  	_ = 	snop;
	(pc) =	sbr.rel @p0 .LBB2_2-.Ltmp4, $1  }
0x111: {  	_ =	sdelay $0x3  }
0x112: {  	s20 =	sadd.s32 $0x1, s20  }
0x113: {  	p0 =	sne.s32 s20, s8  }
.Ltmp5:
0x114: {  	_ = 	snop;
	(pc) =	sbr.rel @p0 .LBB2_1-.Ltmp5, $4  }
0x115: {  	[hbm4b:s7+s1] =	stream.linear.scatter [tilespmem:s18], [sflag:$0x3], $0x2A00, $0x38;
	[tilespmem:$0x1B600] =	vst v63  }
0x116: {  	_ =	swait.ge [sflag:s9], $0x2A00  }
0x117: {  	[sflag:s9] =	ssyncset.done $0x0  }
0x118: {  	[sflag:s9] =	ssyncadd.s32 $0xFFFFD600  }
0x119: {  	_ =	sfence.sel $0x180000  }
0x11a: {  	[bflag:$0x0] =	sbarrier.arrive $0xFFFF  }
0x11b: {  	_ =	strace $0x90000047  }
0x11c: {  	[bflag:$0x2] =	sbarrier.arrive $0xFFFF  }
0x11d: {  	p0 =	sne.s32 s0, $0x0;
	s0 =	rddreg [dreg:$0x2]  }
0x11e: {  	s0 =	sadd.s32 @!p0 $0x100000, s0  }
0x11f: {  	[sflag:s0] =	ssyncadd.tile.s32 @!p0 $0x1;
	_ =	shalt  }
.Lfunc_end2:
_tile_overlayer_lowered:
.L_overlay_start_2:
0x120: {  	(tag) =	ssettag $0x2  }
0x121: {  	s0 =	rddreg [dreg:$0x0];
	s2 =	stileid.u32  }
0x122: {  	s1 =	rddreg [dreg:$0x1];
	p0 =	sne.s32 s2, $0x0  }
0x123: {  	s3 =	rddreg [dreg:$0x2];
	[bflag:$0x3] =	sbarrier.arrive $0xFFFF;
	s2 =	simm.s32 @!p0 $0x1C03  }
0x124: {  	[timem:s3], [sflag:s2] =	dma.local @!p0 [hbm:s0], s1  }
0x125: {  	s0 =	simm.s32 @!p0 $0x3  }
0x126: {  	_ =	swait.ge @!p0 [sflag:s0], s1  }
0x127: {  	s1 =	ssub.s32 @!p0 $0x0, s1;
	[sflag:s0] =	ssyncset.done @!p0 $0x0  }
0x128: {  	[sflag:s0] =	ssyncadd.s32 @!p0 s1  }
0x129: {  	[bflag:$0x3] =	sbarrier.arrive $0xFFFF  }
0x12a: {  	_ =	shalt  }

</sc_bundles>
